<compile_context>
chip_gen: v7x
topology: tpu7x:2x2x1
jax: 0.10.2.dev20260603
libtpu: 0.0.44.dev20260713+nightly
codegen_flags: <defaults>
</compile_context>

<pallas_src>
import functools

import jax
import jax.numpy as jnp
from jax import lax
from jax.experimental import pallas as pl
from jax.experimental.pallas import tpu as pltpu
from jax.experimental.pallas import tpu_sc as plsc

B, Q, C, L = 32, 900, 256, 92
QP = 912
RP = 96
NSEL = 300
SP = 304
NCHUNK = QP // 16
FLAT = QP * RP



def _score_body(logits_ref, pm_ref, out_ref, rm_ref):
    sig = jax.nn.sigmoid(logits_ref[0])
    sig = jnp.concatenate(
        [sig, jnp.zeros((QP - Q, C), jnp.float32)], axis=0)
    pm = pm_ref[0]
    acc = lax.dot_general(sig, pm, (((1,), (1,)), ((), ())),
                          preferred_element_type=jnp.float32)
    row = lax.broadcasted_iota(jnp.int32, (QP, RP), 0)
    col = lax.broadcasted_iota(jnp.int32, (QP, RP), 1)
    pad = jnp.logical_or(row >= Q, col >= L)
    padded = jnp.where(pad, -1.0, acc)
    out_ref[0] = padded
    rm_ref[0, 0] = jnp.max(padded, axis=1)


def _scores_tc(logits_pad, pos_maps_pad):
    return pl.pallas_call(
        _score_body,
        grid=(B,),
        in_specs=[
            pl.BlockSpec((1, Q, C), lambda b: (b, 0, 0)),
            pl.BlockSpec((1, RP, C), lambda b: (b, 0, 0)),
        ],
        out_specs=[
            pl.BlockSpec((1, QP, RP), lambda b: (b, 0, 0)),
            pl.BlockSpec((1, 1, QP), lambda b: (b, 0, 0)),
        ],
        out_shape=[
            jax.ShapeDtypeStruct((B, QP, RP), jnp.float32),
            jax.ShapeDtypeStruct((B, 1, QP), jnp.float32),
        ],
        compiler_params=pltpu.CompilerParams(
            dimension_semantics=("arbitrary",)),
    )(logits_pad, pos_maps_pad)



def _sc_body(prob_hbm, rowmax_hbm, boxes_hbm, scale_hbm,
             scores_o, labels_o, boxes_o, tk_o,
             prob_v, boxes_v, scale_v, rowmax_v, chunkmax_v,
             score_st, label_st, qidx_st, boxes_st, tk_st, dma_sem):
    b = lax.axis_index("c") * 16 + lax.axis_index("s")
    lanes = lax.iota(jnp.int32, 16)
    lane0 = lanes == 0
    fz = jnp.zeros((16,), jnp.float32)
    iz = jnp.zeros((16,), jnp.int32)

    cps = [pltpu.make_async_copy(prob_hbm.at[b], prob_v, dma_sem),
           pltpu.make_async_copy(rowmax_hbm.at[b], rowmax_v, dma_sem),
           pltpu.make_async_copy(boxes_hbm.at[b], boxes_v, dma_sem),
           pltpu.make_async_copy(scale_hbm.at[b], scale_v, dma_sem)]
    for c in cps:
        c.start()
    for c in cps:
        c.wait()

    sv = scale_v[...]
    _gd = lax.GatherDimensionNumbers(offset_dims=(), collapsed_slice_dims=(0,),
                                     start_index_map=(0,))
    def _vgather(vec, idx):
        return lax.gather(vec, idx[:, None], _gd, (1,),
                          mode=lax.GatherScatterMode.PROMISE_IN_BOUNDS)
    sw = _vgather(sv, iz)
    sh = _vgather(sv, iz + 1)

    @plsc.parallel_loop(0, NCHUNK, unroll=2)
    def init_chunks(j):
        m = rowmax_v[pl.ds(j * 16, 16)]
        plsc.store_scatter(chunkmax_v, [jnp.full((16,), j, jnp.int32)],
                           jnp.full((16,), jnp.max(m)), mask=lane0)
    cpad = lax.iota(jnp.int32, 16) + 48
    plsc.store_scatter(chunkmax_v, [cpad], jnp.full((16,), -3.0),
                       mask=cpad >= NCHUNK)
    qidx_st[pl.ds(288, 16)] = iz

    BIGIV = jnp.full((16,), jnp.int32(1 << 30))

    def extract(i, cvs):
        gmax = jnp.max(jnp.maximum(jnp.maximum(cvs[0], cvs[1]),
                                   jnp.maximum(cvs[2], cvs[3])))
        gmv = jnp.full((16,), gmax)
        jsv = BIGIV
        for j in range(4):
            f = plsc.all_reduce_ffs(cvs[j] == gmv)
            jsv = jnp.minimum(jsv, jnp.where(f >= 16, BIGIV, f + j * 16))
        rv = plsc.load_gather(rowmax_v, [jsv * 16 + lanes])
        qoffv = plsc.all_reduce_ffs(rv == gmv)
        qsv = jsv * 16 + qoffv
        basev = qsv * RP
        lsv = BIGIV
        vs = []
        for cc in range(RP // 16):
            v = plsc.load_gather(prob_v, [basev + cc * 16 + lanes])
            vs.append(v)
            f = plsc.all_reduce_ffs(v == gmv)
            lsv = jnp.minimum(lsv, jnp.where(f >= 16, BIGIV, f + cc * 16))

        bi = jnp.full((16,), i, jnp.int32)
        plsc.store_scatter(score_st, [bi], gmv, mask=lane0)
        plsc.store_scatter(label_st, [bi], lsv, mask=lane0)
        plsc.store_scatter(qidx_st, [bi], qsv, mask=lane0)

        plsc.store_scatter(prob_v, [basev + lsv],
                           jnp.full((16,), -1.0), mask=lane0)
        nm = jnp.full((16,), -1.0)
        for cc in range(RP // 16):
            nm = jnp.maximum(
                nm, jnp.where(cc * 16 + lanes == lsv, jnp.full((16,), -1.0),
                              vs[cc]))
        newrowv = jnp.full((16,), jnp.max(nm))
        plsc.store_scatter(rowmax_v, [qsv], newrowv, mask=lane0)
        newchunkv = jnp.full((16,), jnp.max(jnp.where(lanes == qoffv,
                                                      newrowv, rv)))
        jv, lv = jsv >> 4, jsv & 15
        return tuple(
            jnp.where(jnp.logical_and(jv == j, lanes == lv), newchunkv, c)
            for j, c in enumerate(cvs))
    lax.fori_loop(0, NSEL, extract,
                  tuple(chunkmax_v[pl.ds(j * 16, 16)] for j in range(4)))

    @plsc.parallel_loop(0, SP // 16, unroll=2)
    def box_chunk(j):
        k16 = j * 16 + lanes
        valid = k16 < NSEL
        q16 = qidx_st[pl.ds(j * 16, 16)]
        cx = plsc.load_gather(boxes_v, [q16 * 4])
        cy = plsc.load_gather(boxes_v, [q16 * 4 + 1])
        w = plsc.load_gather(boxes_v, [q16 * 4 + 2])
        h = plsc.load_gather(boxes_v, [q16 * 4 + 3])
        plsc.store_scatter(boxes_st, [k16 * 4], (cx - 0.5 * w) * sw,
                           mask=valid)
        plsc.store_scatter(boxes_st, [k16 * 4 + 1], (cy - 0.5 * h) * sh,
                           mask=valid)
        plsc.store_scatter(boxes_st, [k16 * 4 + 2], (cx + 0.5 * w) * sw,
                           mask=valid)
        plsc.store_scatter(boxes_st, [k16 * 4 + 3], (cy + 0.5 * h) * sh,
                           mask=valid)

    @plsc.parallel_loop(0, SP // 16, unroll=2)
    def restore(j):
        k16 = j * 16 + lanes
        valid = k16 < NSEL
        v = score_st[pl.ds(j * 16, 16)]
        q16 = qidx_st[pl.ds(j * 16, 16)]
        l16 = label_st[pl.ds(j * 16, 16)]
        plsc.store_scatter(prob_v, [q16 * RP + l16], v, mask=valid)

    @plsc.parallel_loop(0, NSEL, unroll=2)
    def tkrow(k):
        qv = plsc.load_gather(qidx_st, [jnp.full((16,), k, jnp.int32)])
        basev = qv * RP + lanes
        for cc in range(RP // 16):
            tk_st[pl.ds(k * RP + cc * 16, 16)] = \
                plsc.load_gather(prob_v, [basev + cc * 16])

    cps = [pltpu.make_async_copy(score_st, scores_o.at[b], dma_sem),
           pltpu.make_async_copy(label_st, labels_o.at[b], dma_sem),
           pltpu.make_async_copy(boxes_st, boxes_o.at[b], dma_sem),
           pltpu.make_async_copy(tk_st, tk_o.at[b], dma_sem)]
    for c in cps:
        c.start()
    for c in cps:
        c.wait()


_sc_topk = functools.partial(
    pl.kernel,
    out_type=[
        jax.ShapeDtypeStruct((B, SP), jnp.float32),
        jax.ShapeDtypeStruct((B, SP), jnp.int32),
        jax.ShapeDtypeStruct((B, SP * 4), jnp.float32),
        jax.ShapeDtypeStruct((B, NSEL * RP), jnp.float32),
    ],
    mesh=plsc.VectorSubcoreMesh(core_axis_name="c", subcore_axis_name="s"),
    compiler_params=pltpu.CompilerParams(needs_layout_passes=False),
    scratch_types=[
        pltpu.VMEM((FLAT,), jnp.float32),
        pltpu.VMEM((Q * 4,), jnp.float32),
        pltpu.VMEM((16,), jnp.float32),
        pltpu.VMEM((QP,), jnp.float32),
        pltpu.VMEM((64,), jnp.float32),
        pltpu.VMEM((SP,), jnp.float32),
        pltpu.VMEM((SP,), jnp.int32),
        pltpu.VMEM((SP,), jnp.int32),
        pltpu.VMEM((SP * 4,), jnp.float32),
        pltpu.VMEM((NSEL * RP,), jnp.float32),
        pltpu.SemaphoreType.DMA,
    ],
)(_sc_body)


def kernel(pred_logits, pred_boxes, pos_maps, target_sizes):
    pm_pad = jnp.pad(pos_maps, ((0, 0), (0, RP - L), (0, 0)))
    prob, rowmax = _scores_tc(pred_logits, pm_pad)
    prob = prob.reshape(B, FLAT)
    rowmax = rowmax.reshape(B, QP)

    w = target_sizes[:, 1].astype(jnp.float32)
    h = target_sizes[:, 0].astype(jnp.float32)
    scale = jnp.concatenate(
        [w[:, None], h[:, None], jnp.zeros((B, 14), jnp.float32)], axis=1)

    scores_p, labels_p, boxes_p, tk_p = _sc_topk(
        prob, rowmax, pred_boxes.reshape(B, Q * 4), scale)

    scores = scores_p[:, :NSEL]
    labels = labels_p[:, :NSEL]
    boxes = boxes_p[:, :NSEL * 4].reshape(B, NSEL, 4)
    topk_prob = tk_p.reshape(B, NSEL, RP)[:, :, :L]
    return scores, labels, boxes, topk_prob

# --- scband reference (transcript-rebuilt; emitter-appended) ---
"""Pipeline reference for scband-post-process-coco-training-81303730913336 (READ-ONLY COPY).

The authoritative reference and input builder live on the scoring server;
editing this copy changes nothing except your own understanding.
"""

import jax, jax.numpy as jnp
import numpy as np


def box_cxcywh_to_xyxy(b):
    cx, cy, w, h = b[..., 0], b[..., 1], b[..., 2], b[..., 3]
    return jnp.stack([cx - 0.5 * w, cy - 0.5 * h, cx + 0.5 * w, cy + 0.5 * h], axis=-1)


def setup_inputs(seed: int = 0):
    key = jax.random.key(seed)
    k1, k2, k3, k4 = jax.random.split(key, 4)
    B, Q, C, L = 32, 900, 256, 92
    pred_logits = jax.random.normal(k1, (B, Q, C), dtype=jnp.float32)
    pred_boxes = jax.random.uniform(k2, (B, Q, 4), dtype=jnp.float32)
    # positive_maps buffer: sparse-ish binary token->label map, one map per image
    pos_maps = (jax.random.uniform(k3, (B, L, C)) < 0.02).astype(jnp.float32)
    target_sizes = jax.random.randint(k4, (B, 2), 224, 1333).astype(jnp.int32)
    return {"pred_logits": pred_logits, "pred_boxes": pred_boxes, "pos_maps": pos_maps, "target_sizes": target_sizes}


def reference(pred_logits, pred_boxes, pos_maps, target_sizes):
    num_select = 300
    prob_to_token = jax.nn.sigmoid(pred_logits)            # [B, Q, 256]
    # prob_to_token @ pos_maps.transpose(1, 2)
    prob = jnp.einsum('bqc,blc->bql', prob_to_token, pos_maps)  # [B, Q, 92]
    B, Q, L = prob.shape
    topk_values, topk_indexes = jax.lax.top_k(prob.reshape(B, Q * L), num_select)
    scores = topk_values
    topk_boxes = topk_indexes // L
    labels = topk_indexes % L
    boxes = box_cxcywh_to_xyxy(pred_boxes)                 # [B, Q, 4]
    boxes = jnp.take_along_axis(boxes, jnp.broadcast_to(topk_boxes[:, :, None], (B, num_select, 4)), axis=1)
    topk_prob = jnp.take_along_axis(prob, jnp.broadcast_to(topk_boxes[:, :, None], (B, num_select, L)), axis=1)
    img_h = target_sizes[:, 0].astype(boxes.dtype)
    img_w = target_sizes[:, 1].astype(boxes.dtype)
    scale_fct = jnp.stack([img_w, img_h, img_w, img_h], axis=1)  # [B, 4]
    boxes = boxes * scale_fct[:, None, :]
    return scores, labels, boxes, topk_prob

if __name__ == "__main__":
    import jax
    _d = setup_inputs()
    print(jax.jit(kernel)(*tuple(_d.values())))

</pallas_src>

<mosaic_0001>
#map = affine_map<(d0, d1) -> (0, 0)>
module attributes {stable_mosaic.version = 14 : i64} {
  func.func @_sc_body(%arg0: i32, %arg1: i32, %arg2: memref<32x87552xf32, #tpu.memory_space<hbm>>, %arg3: memref<32x912xf32, #tpu.memory_space<hbm>>, %arg4: memref<32x3600xf32, #tpu.memory_space<hbm>>, %arg5: memref<32x16xf32, #tpu.memory_space<hbm>>, %arg6: memref<32x304xf32, #tpu.memory_space<hbm>>, %arg7: memref<32x304xi32, #tpu.memory_space<hbm>>, %arg8: memref<32x1216xf32, #tpu.memory_space<hbm>>, %arg9: memref<32x28800xf32, #tpu.memory_space<hbm>>, %arg10: memref<87552xf32, #tpu.memory_space<vmem>>, %arg11: memref<3600xf32, #tpu.memory_space<vmem>>, %arg12: memref<16xf32, #tpu.memory_space<vmem>>, %arg13: memref<912xf32, #tpu.memory_space<vmem>>, %arg14: memref<64xf32, #tpu.memory_space<vmem>>, %arg15: memref<304xf32, #tpu.memory_space<vmem>>, %arg16: memref<304xi32, #tpu.memory_space<vmem>>, %arg17: memref<304xi32, #tpu.memory_space<vmem>>, %arg18: memref<1216xf32, #tpu.memory_space<vmem>>, %arg19: memref<28800xf32, #tpu.memory_space<vmem>>, %arg20: memref<!tpu.dma_semaphore, #tpu.memory_space<semaphore_mem>>) attributes {dimension_semantics = [#tpu.dimension_semantics<core_parallel>, #tpu.dimension_semantics<subcore_parallel>], iteration_bounds = array<i64: 2, 16>, scalar_prefetch = 0 : i64, scratch_operands = 11 : i64, tpu.core_type = #tpu.core_type<sc_vector_subcore>, window_params = [{transform_indices = #map}, {transform_indices = #map}, {transform_indices = #map}, {transform_indices = #map}, {transform_indices = #map}, {transform_indices = #map}, {transform_indices = #map}, {transform_indices = #map}]} {
    %mul3A = arith.constant 16 : i32
    %mul3A_0 = arith.muli %arg0, %mul3A : i32
    %add3A = arith.addi %mul3A_0, %arg1 : i32
    %iota3A = tpu.iota {dimensions = array<i32: 0>} : vector<16xi32>
    %eq3A = arith.constant 0 : i32
    %eq3A_1 = vector.broadcast %eq3A : i32 to vector<16xi32>
    %eq3A_2 = arith.cmpi eq, %iota3A, %eq3A_1 : vector<16xi32>
    %broadcast_in_dim3A = arith.constant 0.000000e+00 : f32
    %broadcast_in_dim3A_3 = vector.broadcast %broadcast_in_dim3A : f32 to vector<16xf32>
    %broadcast_in_dim3A_4 = arith.constant 0 : i32
    %broadcast_in_dim3A_5 = vector.broadcast %broadcast_in_dim3A_4 : i32 to vector<16xi32>
    %dma_start3A = arith.constant 0 : i32
    %dma_start3A_6 = tpu.memref_slice %arg2[%add3A, %dma_start3A] : memref<32x87552xf32, #tpu.memory_space<hbm>> -> memref<1x87552xf32, #tpu.memory_space<hbm>>
    %dma_start3A_7 = tpu.memref_squeeze %dma_start3A_6 : memref<1x87552xf32, #tpu.memory_space<hbm>> -> memref<87552xf32, #tpu.memory_space<hbm>>
    %dma_start3A_8 = arith.constant 0 : i32
    %dma_start3A_9 = tpu.memref_slice %arg2[%add3A, %dma_start3A_8] : memref<32x87552xf32, #tpu.memory_space<hbm>> -> memref<1x87552xf32, #tpu.memory_space<hbm>>
    %dma_start3A_10 = tpu.memref_squeeze %dma_start3A_9 : memref<1x87552xf32, #tpu.memory_space<hbm>> -> memref<87552xf32, #tpu.memory_space<hbm>>
    tpu.enqueue_dma source(%dma_start3A_10 : memref<87552xf32, #tpu.memory_space<hbm>>) target(%arg10 : memref<87552xf32, #tpu.memory_space<vmem>>) target_semaphore(%arg20 : memref<!tpu.dma_semaphore, #tpu.memory_space<semaphore_mem>>)
    %dma_start3A_11 = arith.constant 0 : i32
    %dma_start3A_12 = tpu.memref_slice %arg3[%add3A, %dma_start3A_11] : memref<32x912xf32, #tpu.memory_space<hbm>> -> memref<1x912xf32, #tpu.memory_space<hbm>>
    %dma_start3A_13 = tpu.memref_squeeze %dma_start3A_12 : memref<1x912xf32, #tpu.memory_space<hbm>> -> memref<912xf32, #tpu.memory_space<hbm>>
    %dma_start3A_14 = arith.constant 0 : i32
    %dma_start3A_15 = tpu.memref_slice %arg3[%add3A, %dma_start3A_14] : memref<32x912xf32, #tpu.memory_space<hbm>> -> memref<1x912xf32, #tpu.memory_space<hbm>>
    %dma_start3A_16 = tpu.memref_squeeze %dma_start3A_15 : memref<1x912xf32, #tpu.memory_space<hbm>> -> memref<912xf32, #tpu.memory_space<hbm>>
    tpu.enqueue_dma source(%dma_start3A_16 : memref<912xf32, #tpu.memory_space<hbm>>) target(%arg13 : memref<912xf32, #tpu.memory_space<vmem>>) target_semaphore(%arg20 : memref<!tpu.dma_semaphore, #tpu.memory_space<semaphore_mem>>)
    %dma_start3A_17 = arith.constant 0 : i32
    %dma_start3A_18 = tpu.memref_slice %arg4[%add3A, %dma_start3A_17] : memref<32x3600xf32, #tpu.memory_space<hbm>> -> memref<1x3600xf32, #tpu.memory_space<hbm>>
    %dma_start3A_19 = tpu.memref_squeeze %dma_start3A_18 : memref<1x3600xf32, #tpu.memory_space<hbm>> -> memref<3600xf32, #tpu.memory_space<hbm>>
    %dma_start3A_20 = arith.constant 0 : i32
    %dma_start3A_21 = tpu.memref_slice %arg4[%add3A, %dma_start3A_20] : memref<32x3600xf32, #tpu.memory_space<hbm>> -> memref<1x3600xf32, #tpu.memory_space<hbm>>
    %dma_start3A_22 = tpu.memref_squeeze %dma_start3A_21 : memref<1x3600xf32, #tpu.memory_space<hbm>> -> memref<3600xf32, #tpu.memory_space<hbm>>
    tpu.enqueue_dma source(%dma_start3A_22 : memref<3600xf32, #tpu.memory_space<hbm>>) target(%arg11 : memref<3600xf32, #tpu.memory_space<vmem>>) target_semaphore(%arg20 : memref<!tpu.dma_semaphore, #tpu.memory_space<semaphore_mem>>)
    %dma_start3A_23 = arith.constant 0 : i32
    %dma_start3A_24 = tpu.memref_slice %arg5[%add3A, %dma_start3A_23] : memref<32x16xf32, #tpu.memory_space<hbm>> -> memref<1x16xf32, #tpu.memory_space<hbm>>
    %dma_start3A_25 = tpu.memref_squeeze %dma_start3A_24 : memref<1x16xf32, #tpu.memory_space<hbm>> -> memref<16xf32, #tpu.memory_space<hbm>>
    %dma_start3A_26 = arith.constant 0 : i32
    %dma_start3A_27 = tpu.memref_slice %arg5[%add3A, %dma_start3A_26] : memref<32x16xf32, #tpu.memory_space<hbm>> -> memref<1x16xf32, #tpu.memory_space<hbm>>
    %dma_start3A_28 = tpu.memref_squeeze %dma_start3A_27 : memref<1x16xf32, #tpu.memory_space<hbm>> -> memref<16xf32, #tpu.memory_space<hbm>>
    tpu.enqueue_dma source(%dma_start3A_28 : memref<16xf32, #tpu.memory_space<hbm>>) target(%arg12 : memref<16xf32, #tpu.memory_space<vmem>>) target_semaphore(%arg20 : memref<!tpu.dma_semaphore, #tpu.memory_space<semaphore_mem>>)
    %dma_wait3A = arith.constant 0 : i32
    %dma_wait3A_29 = tpu.memref_slice %arg2[%add3A, %dma_wait3A] : memref<32x87552xf32, #tpu.memory_space<hbm>> -> memref<1x87552xf32, #tpu.memory_space<hbm>>
    %dma_wait3A_30 = tpu.memref_squeeze %dma_wait3A_29 : memref<1x87552xf32, #tpu.memory_space<hbm>> -> memref<87552xf32, #tpu.memory_space<hbm>>
    %dma_wait3A_31 = arith.constant 0 : i32
    %dma_wait3A_32 = tpu.memref_slice %arg2[%add3A, %dma_wait3A_31] : memref<32x87552xf32, #tpu.memory_space<hbm>> -> memref<1x87552xf32, #tpu.memory_space<hbm>>
    %dma_wait3A_33 = tpu.memref_squeeze %dma_wait3A_32 : memref<1x87552xf32, #tpu.memory_space<hbm>> -> memref<87552xf32, #tpu.memory_space<hbm>>
    tpu.wait_dma2 semaphore(%arg20 : memref<!tpu.dma_semaphore, #tpu.memory_space<semaphore_mem>>) src(%dma_wait3A_33 : memref<87552xf32, #tpu.memory_space<hbm>>) dst(%arg10 : memref<87552xf32, #tpu.memory_space<vmem>>)
    %dma_wait3A_34 = arith.constant 0 : i32
    %dma_wait3A_35 = tpu.memref_slice %arg3[%add3A, %dma_wait3A_34] : memref<32x912xf32, #tpu.memory_space<hbm>> -> memref<1x912xf32, #tpu.memory_space<hbm>>
    %dma_wait3A_36 = tpu.memref_squeeze %dma_wait3A_35 : memref<1x912xf32, #tpu.memory_space<hbm>> -> memref<912xf32, #tpu.memory_space<hbm>>
    %dma_wait3A_37 = arith.constant 0 : i32
    %dma_wait3A_38 = tpu.memref_slice %arg3[%add3A, %dma_wait3A_37] : memref<32x912xf32, #tpu.memory_space<hbm>> -> memref<1x912xf32, #tpu.memory_space<hbm>>
    %dma_wait3A_39 = tpu.memref_squeeze %dma_wait3A_38 : memref<1x912xf32, #tpu.memory_space<hbm>> -> memref<912xf32, #tpu.memory_space<hbm>>
    tpu.wait_dma2 semaphore(%arg20 : memref<!tpu.dma_semaphore, #tpu.memory_space<semaphore_mem>>) src(%dma_wait3A_39 : memref<912xf32, #tpu.memory_space<hbm>>) dst(%arg13 : memref<912xf32, #tpu.memory_space<vmem>>)
    %dma_wait3A_40 = arith.constant 0 : i32
    %dma_wait3A_41 = tpu.memref_slice %arg4[%add3A, %dma_wait3A_40] : memref<32x3600xf32, #tpu.memory_space<hbm>> -> memref<1x3600xf32, #tpu.memory_space<hbm>>
    %dma_wait3A_42 = tpu.memref_squeeze %dma_wait3A_41 : memref<1x3600xf32, #tpu.memory_space<hbm>> -> memref<3600xf32, #tpu.memory_space<hbm>>
    %dma_wait3A_43 = arith.constant 0 : i32
    %dma_wait3A_44 = tpu.memref_slice %arg4[%add3A, %dma_wait3A_43] : memref<32x3600xf32, #tpu.memory_space<hbm>> -> memref<1x3600xf32, #tpu.memory_space<hbm>>
    %dma_wait3A_45 = tpu.memref_squeeze %dma_wait3A_44 : memref<1x3600xf32, #tpu.memory_space<hbm>> -> memref<3600xf32, #tpu.memory_space<hbm>>
    tpu.wait_dma2 semaphore(%arg20 : memref<!tpu.dma_semaphore, #tpu.memory_space<semaphore_mem>>) src(%dma_wait3A_45 : memref<3600xf32, #tpu.memory_space<hbm>>) dst(%arg11 : memref<3600xf32, #tpu.memory_space<vmem>>)
    %dma_wait3A_46 = arith.constant 0 : i32
    %dma_wait3A_47 = tpu.memref_slice %arg5[%add3A, %dma_wait3A_46] : memref<32x16xf32, #tpu.memory_space<hbm>> -> memref<1x16xf32, #tpu.memory_space<hbm>>
    %dma_wait3A_48 = tpu.memref_squeeze %dma_wait3A_47 : memref<1x16xf32, #tpu.memory_space<hbm>> -> memref<16xf32, #tpu.memory_space<hbm>>
    %dma_wait3A_49 = arith.constant 0 : i32
    %dma_wait3A_50 = tpu.memref_slice %arg5[%add3A, %dma_wait3A_49] : memref<32x16xf32, #tpu.memory_space<hbm>> -> memref<1x16xf32, #tpu.memory_space<hbm>>
    %dma_wait3A_51 = tpu.memref_squeeze %dma_wait3A_50 : memref<1x16xf32, #tpu.memory_space<hbm>> -> memref<16xf32, #tpu.memory_space<hbm>>
    tpu.wait_dma2 semaphore(%arg20 : memref<!tpu.dma_semaphore, #tpu.memory_space<semaphore_mem>>) src(%dma_wait3A_51 : memref<16xf32, #tpu.memory_space<hbm>>) dst(%arg12 : memref<16xf32, #tpu.memory_space<vmem>>)
    %get3A = arith.constant 0 : index
    %get3A_52 = tpu.vector_load %arg12[%get3A] {strides = array<i32>} : memref<16xf32, #tpu.memory_space<vmem>>, vector<16xf32>,
    %broadcast_in_dim3A_53 = vector.shape_cast %broadcast_in_dim3A_5 : vector<16xi32> to vector<16x1xi32>
    %gather3A = vector.shape_cast %broadcast_in_dim3A_53 : vector<16x1xi32> to vector<16xi32>
    %gather3A_54 = tpu.dynamic_gather %get3A_52[%gather3A] in [0] : vector<16xf32>, vector<16xi32> -> vector<16xf32>
    %add3A_55 = arith.constant 1 : i32
    %add3A_56 = vector.broadcast %add3A_55 : i32 to vector<16xi32>
    %add3A_57 = arith.addi %broadcast_in_dim3A_5, %add3A_56 : vector<16xi32>
    %broadcast_in_dim3A_58 = vector.shape_cast %add3A_57 : vector<16xi32> to vector<16x1xi32>
    %gather3A_59 = vector.shape_cast %broadcast_in_dim3A_58 : vector<16x1xi32> to vector<16xi32>
    %gather3A_60 = tpu.dynamic_gather %get3A_52[%gather3A_59] in [0] : vector<16xf32>, vector<16xi32> -> vector<16xf32>
    %parallel_loop3A = arith.constant 0 : i32
    %parallel_loop3A_61 = arith.constant 57 : i32
    %parallel_loop3A_62 = arith.constant 1 : i32
    scf.for %parallel_loop3A_144 = %parallel_loop3A to %parallel_loop3A_61 step %parallel_loop3A_62  : i32 {
      %parallel_loop3A_145 = arith.constant 16 : i32
      %parallel_loop3A_146 = arith.muli %parallel_loop3A_144, %parallel_loop3A_145 : i32
      %parallel_loop3A_147 = arith.index_cast %parallel_loop3A_146 : i32 to index
      %parallel_loop3A_148 = tpu.vector_load %arg13[%parallel_loop3A_147] {strides = array<i32>} : memref<912xf32, #tpu.memory_space<vmem>>, vector<16xf32>,
      %parallel_loop3A_149 = vector.broadcast %parallel_loop3A_144 : i32 to vector<16xi32>
      %parallel_loop3A_150 = arith.constant true
      %parallel_loop3A_151 = vector.broadcast %parallel_loop3A_150 : i1 to vector<16xi1>
      %parallel_loop3A_152 = tpu.scan <max>, %parallel_loop3A_148 masked %parallel_loop3A_151 : vector<16xf32>, vector<16xi1> -> vector<16xf32>
      %parallel_loop3A_153 = vector.extract %parallel_loop3A_152[15] : f32 from vector<16xf32>
      %parallel_loop3A_154 = vector.broadcast %parallel_loop3A_153 : f32 to vector<16xf32>
      tpu.vector_store_idx %arg14[%parallel_loop3A_149], %parallel_loop3A_154 masked %eq3A_2 : memref<64xf32, #tpu.memory_space<vmem>>[vector<16xi32>], vector<16xf32>, vector<16xi1>
    } {sc.loop_unroll_factor = 2 : i64, sc.parallel_access}
    %iota3A_63 = tpu.iota {dimensions = array<i32: 0>} : vector<16xi32>
    %add3A_64 = arith.constant 48 : i32
    %add3A_65 = vector.broadcast %add3A_64 : i32 to vector<16xi32>
    %add3A_66 = arith.addi %iota3A_63, %add3A_65 : vector<16xi32>
    %broadcast_in_dim3A_67 = arith.constant -3.000000e+00 : f32
    %broadcast_in_dim3A_68 = vector.broadcast %broadcast_in_dim3A_67 : f32 to vector<16xf32>
    %ge3A = arith.constant 57 : i32
    %ge3A_69 = vector.broadcast %ge3A : i32 to vector<16xi32>
    %ge3A_70 = arith.cmpi sge, %add3A_66, %ge3A_69 : vector<16xi32>
    tpu.vector_store_idx %arg14[%add3A_66], %broadcast_in_dim3A_68 masked %ge3A_70 : memref<64xf32, #tpu.memory_space<vmem>>[vector<16xi32>], vector<16xf32>, vector<16xi1>
    %swap3A = arith.constant 288 : index
    %swap3A_71 = tpu.vector_load %arg17[%swap3A] {strides = array<i32>} : memref<304xi32, #tpu.memory_space<vmem>>, vector<16xi32>,
    tpu.vector_store %arg17[%swap3A], %broadcast_in_dim3A_5 {strides = array<i32>} : memref<304xi32, #tpu.memory_space<vmem>>, vector<16xi32>,
    %broadcast_in_dim3A_72 = arith.constant 1073741824 : i32
    %broadcast_in_dim3A_73 = vector.broadcast %broadcast_in_dim3A_72 : i32 to vector<16xi32>
    %get3A_74 = arith.constant 0 : index
    %get3A_75 = tpu.vector_load %arg14[%get3A_74] {strides = array<i32>} : memref<64xf32, #tpu.memory_space<vmem>>, vector<16xf32>,
    %get3A_76 = arith.constant 16 : index
    %get3A_77 = tpu.vector_load %arg14[%get3A_76] {strides = array<i32>} : memref<64xf32, #tpu.memory_space<vmem>>, vector<16xf32>,
    %get3A_78 = arith.constant 32 : index
    %get3A_79 = tpu.vector_load %arg14[%get3A_78] {strides = array<i32>} : memref<64xf32, #tpu.memory_space<vmem>>, vector<16xf32>,
    %get3A_80 = arith.constant 48 : index
    %get3A_81 = tpu.vector_load %arg14[%get3A_80] {strides = array<i32>} : memref<64xf32, #tpu.memory_space<vmem>>, vector<16xf32>,
    %scan3A = arith.constant 0 : i32
    %scan3A_82 = arith.constant 300 : i32
    %scan3A_83 = arith.addi %scan3A, %scan3A_82 : i32
    %scan3A_84 = arith.constant 1 : i32
    %scan3A_85:4 = scf.for %scan3A_144 = %scan3A to %scan3A_83 step %scan3A_84 iter_args(%scan3A_145 = %get3A_75, %scan3A_146 = %get3A_77, %scan3A_147 = %get3A_79, %scan3A_148 = %get3A_81) -> (vector<16xf32>, vector<16xf32>, vector<16xf32>, vector<16xf32>)  : i32 {
      %max3A = arith.maximumf %scan3A_145, %scan3A_146 : vector<16xf32>
      %max3A_149 = arith.maximumf %scan3A_147, %scan3A_148 : vector<16xf32>
      %max3A_150 = arith.maximumf %max3A, %max3A_149 : vector<16xf32>
      %reduce_max3A = arith.constant true
      %reduce_max3A_151 = vector.broadcast %reduce_max3A : i1 to vector<16xi1>
      %reduce_max3A_152 = tpu.scan <max>, %max3A_150 masked %reduce_max3A_151 : vector<16xf32>, vector<16xi1> -> vector<16xf32>
      %reduce_max3A_153 = vector.extract %reduce_max3A_152[15] : f32 from vector<16xf32>
      %broadcast_in_dim3A_154 = vector.broadcast %reduce_max3A_153 : f32 to vector<16xf32>
      %eq3A_155 = arith.cmpf oeq, %scan3A_145, %broadcast_in_dim3A_154 : vector<16xf32>
      %all_reduce_ffs3A = tpu.all_reduce %eq3A_155 {dim = 0 : i64, kind = #tpu.reduction_kind<find_first_set>} : vector<16xi1> -> vector<16xi32>
      %ge3A_156 = arith.constant 16 : i32
      %ge3A_157 = vector.broadcast %ge3A_156 : i32 to vector<16xi32>
      %ge3A_158 = arith.cmpi sge, %all_reduce_ffs3A, %ge3A_157 : vector<16xi32>
      %add3A_159 = arith.constant 0 : i32
      %add3A_160 = vector.broadcast %add3A_159 : i32 to vector<16xi32>
      %add3A_161 = arith.addi %all_reduce_ffs3A, %add3A_160 : vector<16xi32>
      %select_n3A = arith.select %ge3A_158, %broadcast_in_dim3A_73, %add3A_161 : vector<16xi1>, vector<16xi32>
      %min3A = arith.minsi %broadcast_in_dim3A_73, %select_n3A : vector<16xi32>
      %eq3A_162 = arith.cmpf oeq, %scan3A_146, %broadcast_in_dim3A_154 : vector<16xf32>
      %all_reduce_ffs3A_163 = tpu.all_reduce %eq3A_162 {dim = 0 : i64, kind = #tpu.reduction_kind<find_first_set>} : vector<16xi1> -> vector<16xi32>
      %ge3A_164 = arith.constant 16 : i32
      %ge3A_165 = vector.broadcast %ge3A_164 : i32 to vector<16xi32>
      %ge3A_166 = arith.cmpi sge, %all_reduce_ffs3A_163, %ge3A_165 : vector<16xi32>
      %add3A_167 = arith.constant 16 : i32
      %add3A_168 = vector.broadcast %add3A_167 : i32 to vector<16xi32>
      %add3A_169 = arith.addi %all_reduce_ffs3A_163, %add3A_168 : vector<16xi32>
      %select_n3A_170 = arith.select %ge3A_166, %broadcast_in_dim3A_73, %add3A_169 : vector<16xi1>, vector<16xi32>
      %min3A_171 = arith.minsi %min3A, %select_n3A_170 : vector<16xi32>
      %eq3A_172 = arith.cmpf oeq, %scan3A_147, %broadcast_in_dim3A_154 : vector<16xf32>
      %all_reduce_ffs3A_173 = tpu.all_reduce %eq3A_172 {dim = 0 : i64, kind = #tpu.reduction_kind<find_first_set>} : vector<16xi1> -> vector<16xi32>
      %ge3A_174 = arith.constant 16 : i32
      %ge3A_175 = vector.broadcast %ge3A_174 : i32 to vector<16xi32>
      %ge3A_176 = arith.cmpi sge, %all_reduce_ffs3A_173, %ge3A_175 : vector<16xi32>
      %add3A_177 = arith.constant 32 : i32
      %add3A_178 = vector.broadcast %add3A_177 : i32 to vector<16xi32>
      %add3A_179 = arith.addi %all_reduce_ffs3A_173, %add3A_178 : vector<16xi32>
      %select_n3A_180 = arith.select %ge3A_176, %broadcast_in_dim3A_73, %add3A_179 : vector<16xi1>, vector<16xi32>
      %min3A_181 = arith.minsi %min3A_171, %select_n3A_180 : vector<16xi32>
      %eq3A_182 = arith.cmpf oeq, %scan3A_148, %broadcast_in_dim3A_154 : vector<16xf32>
      %all_reduce_ffs3A_183 = tpu.all_reduce %eq3A_182 {dim = 0 : i64, kind = #tpu.reduction_kind<find_first_set>} : vector<16xi1> -> vector<16xi32>
      %ge3A_184 = arith.constant 16 : i32
      %ge3A_185 = vector.broadcast %ge3A_184 : i32 to vector<16xi32>
      %ge3A_186 = arith.cmpi sge, %all_reduce_ffs3A_183, %ge3A_185 : vector<16xi32>
      %add3A_187 = arith.constant 48 : i32
      %add3A_188 = vector.broadcast %add3A_187 : i32 to vector<16xi32>
      %add3A_189 = arith.addi %all_reduce_ffs3A_183, %add3A_188 : vector<16xi32>
      %select_n3A_190 = arith.select %ge3A_186, %broadcast_in_dim3A_73, %add3A_189 : vector<16xi1>, vector<16xi32>
      %min3A_191 = arith.minsi %min3A_181, %select_n3A_190 : vector<16xi32>
      %mul3A_192 = arith.constant 16 : i32
      %mul3A_193 = vector.broadcast %mul3A_192 : i32 to vector<16xi32>
      %mul3A_194 = arith.muli %min3A_191, %mul3A_193 : vector<16xi32>
      %add3A_195 = arith.addi %mul3A_194, %iota3A : vector<16xi32>
      %gather3A_196 = tpu.vector_load_idx %arg13[%add3A_195] : memref<912xf32, #tpu.memory_space<vmem>>[vector<16xi32>], vector<16xf32>,
      %eq3A_197 = arith.cmpf oeq, %gather3A_196, %broadcast_in_dim3A_154 : vector<16xf32>
      %all_reduce_ffs3A_198 = tpu.all_reduce %eq3A_197 {dim = 0 : i64, kind = #tpu.reduction_kind<find_first_set>} : vector<16xi1> -> vector<16xi32>
      %mul3A_199 = arith.constant 16 : i32
      %mul3A_200 = vector.broadcast %mul3A_199 : i32 to vector<16xi32>
      %mul3A_201 = arith.muli %min3A_191, %mul3A_200 : vector<16xi32>
      %add3A_202 = arith.addi %mul3A_201, %all_reduce_ffs3A_198 : vector<16xi32>
      %mul3A_203 = arith.constant 96 : i32
      %mul3A_204 = vector.broadcast %mul3A_203 : i32 to vector<16xi32>
      %mul3A_205 = arith.muli %add3A_202, %mul3A_204 : vector<16xi32>
      %add3A_206 = arith.constant 0 : i32
      %add3A_207 = vector.broadcast %add3A_206 : i32 to vector<16xi32>
      %add3A_208 = arith.addi %mul3A_205, %add3A_207 : vector<16xi32>
      %add3A_209 = arith.addi %add3A_208, %iota3A : vector<16xi32>
      %gather3A_210 = tpu.vector_load_idx %arg10[%add3A_209] : memref<87552xf32, #tpu.memory_space<vmem>>[vector<16xi32>], vector<16xf32>,
      %eq3A_211 = arith.cmpf oeq, %gather3A_210, %broadcast_in_dim3A_154 : vector<16xf32>
      %all_reduce_ffs3A_212 = tpu.all_reduce %eq3A_211 {dim = 0 : i64, kind = #tpu.reduction_kind<find_first_set>} : vector<16xi1> -> vector<16xi32>
      %ge3A_213 = arith.constant 16 : i32
      %ge3A_214 = vector.broadcast %ge3A_213 : i32 to vector<16xi32>
      %ge3A_215 = arith.cmpi sge, %all_reduce_ffs3A_212, %ge3A_214 : vector<16xi32>
      %add3A_216 = arith.constant 0 : i32
      %add3A_217 = vector.broadcast %add3A_216 : i32 to vector<16xi32>
      %add3A_218 = arith.addi %all_reduce_ffs3A_212, %add3A_217 : vector<16xi32>
      %select_n3A_219 = arith.select %ge3A_215, %broadcast_in_dim3A_73, %add3A_218 : vector<16xi1>, vector<16xi32>
      %min3A_220 = arith.minsi %broadcast_in_dim3A_73, %select_n3A_219 : vector<16xi32>
      %add3A_221 = arith.constant 16 : i32
      %add3A_222 = vector.broadcast %add3A_221 : i32 to vector<16xi32>
      %add3A_223 = arith.addi %mul3A_205, %add3A_222 : vector<16xi32>
      %add3A_224 = arith.addi %add3A_223, %iota3A : vector<16xi32>
      %gather3A_225 = tpu.vector_load_idx %arg10[%add3A_224] : memref<87552xf32, #tpu.memory_space<vmem>>[vector<16xi32>], vector<16xf32>,
      %eq3A_226 = arith.cmpf oeq, %gather3A_225, %broadcast_in_dim3A_154 : vector<16xf32>
      %all_reduce_ffs3A_227 = tpu.all_reduce %eq3A_226 {dim = 0 : i64, kind = #tpu.reduction_kind<find_first_set>} : vector<16xi1> -> vector<16xi32>
      %ge3A_228 = arith.constant 16 : i32
      %ge3A_229 = vector.broadcast %ge3A_228 : i32 to vector<16xi32>
      %ge3A_230 = arith.cmpi sge, %all_reduce_ffs3A_227, %ge3A_229 : vector<16xi32>
      %add3A_231 = arith.constant 16 : i32
      %add3A_232 = vector.broadcast %add3A_231 : i32 to vector<16xi32>
      %add3A_233 = arith.addi %all_reduce_ffs3A_227, %add3A_232 : vector<16xi32>
      %select_n3A_234 = arith.select %ge3A_230, %broadcast_in_dim3A_73, %add3A_233 : vector<16xi1>, vector<16xi32>
      %min3A_235 = arith.minsi %min3A_220, %select_n3A_234 : vector<16xi32>
      %add3A_236 = arith.constant 32 : i32
      %add3A_237 = vector.broadcast %add3A_236 : i32 to vector<16xi32>
      %add3A_238 = arith.addi %mul3A_205, %add3A_237 : vector<16xi32>
      %add3A_239 = arith.addi %add3A_238, %iota3A : vector<16xi32>
      %gather3A_240 = tpu.vector_load_idx %arg10[%add3A_239] : memref<87552xf32, #tpu.memory_space<vmem>>[vector<16xi32>], vector<16xf32>,
      %eq3A_241 = arith.cmpf oeq, %gather3A_240, %broadcast_in_dim3A_154 : vector<16xf32>
      %all_reduce_ffs3A_242 = tpu.all_reduce %eq3A_241 {dim = 0 : i64, kind = #tpu.reduction_kind<find_first_set>} : vector<16xi1> -> vector<16xi32>
      %ge3A_243 = arith.constant 16 : i32
      %ge3A_244 = vector.broadcast %ge3A_243 : i32 to vector<16xi32>
      %ge3A_245 = arith.cmpi sge, %all_reduce_ffs3A_242, %ge3A_244 : vector<16xi32>
      %add3A_246 = arith.constant 32 : i32
      %add3A_247 = vector.broadcast %add3A_246 : i32 to vector<16xi32>
      %add3A_248 = arith.addi %all_reduce_ffs3A_242, %add3A_247 : vector<16xi32>
      %select_n3A_249 = arith.select %ge3A_245, %broadcast_in_dim3A_73, %add3A_248 : vector<16xi1>, vector<16xi32>
      %min3A_250 = arith.minsi %min3A_235, %select_n3A_249 : vector<16xi32>
      %add3A_251 = arith.constant 48 : i32
      %add3A_252 = vector.broadcast %add3A_251 : i32 to vector<16xi32>
      %add3A_253 = arith.addi %mul3A_205, %add3A_252 : vector<16xi32>
      %add3A_254 = arith.addi %add3A_253, %iota3A : vector<16xi32>
      %gather3A_255 = tpu.vector_load_idx %arg10[%add3A_254] : memref<87552xf32, #tpu.memory_space<vmem>>[vector<16xi32>], vector<16xf32>,
      %eq3A_256 = arith.cmpf oeq, %gather3A_255, %broadcast_in_dim3A_154 : vector<16xf32>
      %all_reduce_ffs3A_257 = tpu.all_reduce %eq3A_256 {dim = 0 : i64, kind = #tpu.reduction_kind<find_first_set>} : vector<16xi1> -> vector<16xi32>
      %ge3A_258 = arith.constant 16 : i32
      %ge3A_259 = vector.broadcast %ge3A_258 : i32 to vector<16xi32>
      %ge3A_260 = arith.cmpi sge, %all_reduce_ffs3A_257, %ge3A_259 : vector<16xi32>
      %add3A_261 = arith.constant 48 : i32
      %add3A_262 = vector.broadcast %add3A_261 : i32 to vector<16xi32>
      %add3A_263 = arith.addi %all_reduce_ffs3A_257, %add3A_262 : vector<16xi32>
      %select_n3A_264 = arith.select %ge3A_260, %broadcast_in_dim3A_73, %add3A_263 : vector<16xi1>, vector<16xi32>
      %min3A_265 = arith.minsi %min3A_250, %select_n3A_264 : vector<16xi32>
      %add3A_266 = arith.constant 64 : i32
      %add3A_267 = vector.broadcast %add3A_266 : i32 to vector<16xi32>
      %add3A_268 = arith.addi %mul3A_205, %add3A_267 : vector<16xi32>
      %add3A_269 = arith.addi %add3A_268, %iota3A : vector<16xi32>
      %gather3A_270 = tpu.vector_load_idx %arg10[%add3A_269] : memref<87552xf32, #tpu.memory_space<vmem>>[vector<16xi32>], vector<16xf32>,
      %eq3A_271 = arith.cmpf oeq, %gather3A_270, %broadcast_in_dim3A_154 : vector<16xf32>
      %all_reduce_ffs3A_272 = tpu.all_reduce %eq3A_271 {dim = 0 : i64, kind = #tpu.reduction_kind<find_first_set>} : vector<16xi1> -> vector<16xi32>
      %ge3A_273 = arith.constant 16 : i32
      %ge3A_274 = vector.broadcast %ge3A_273 : i32 to vector<16xi32>
      %ge3A_275 = arith.cmpi sge, %all_reduce_ffs3A_272, %ge3A_274 : vector<16xi32>
      %add3A_276 = arith.constant 64 : i32
      %add3A_277 = vector.broadcast %add3A_276 : i32 to vector<16xi32>
      %add3A_278 = arith.addi %all_reduce_ffs3A_272, %add3A_277 : vector<16xi32>
      %select_n3A_279 = arith.select %ge3A_275, %broadcast_in_dim3A_73, %add3A_278 : vector<16xi1>, vector<16xi32>
      %min3A_280 = arith.minsi %min3A_265, %select_n3A_279 : vector<16xi32>
      %add3A_281 = arith.constant 80 : i32
      %add3A_282 = vector.broadcast %add3A_281 : i32 to vector<16xi32>
      %add3A_283 = arith.addi %mul3A_205, %add3A_282 : vector<16xi32>
      %add3A_284 = arith.addi %add3A_283, %iota3A : vector<16xi32>
      %gather3A_285 = tpu.vector_load_idx %arg10[%add3A_284] : memref<87552xf32, #tpu.memory_space<vmem>>[vector<16xi32>], vector<16xf32>,
      %eq3A_286 = arith.cmpf oeq, %gather3A_285, %broadcast_in_dim3A_154 : vector<16xf32>
      %all_reduce_ffs3A_287 = tpu.all_reduce %eq3A_286 {dim = 0 : i64, kind = #tpu.reduction_kind<find_first_set>} : vector<16xi1> -> vector<16xi32>
      %ge3A_288 = arith.constant 16 : i32
      %ge3A_289 = vector.broadcast %ge3A_288 : i32 to vector<16xi32>
      %ge3A_290 = arith.cmpi sge, %all_reduce_ffs3A_287, %ge3A_289 : vector<16xi32>
      %add3A_291 = arith.constant 80 : i32
      %add3A_292 = vector.broadcast %add3A_291 : i32 to vector<16xi32>
      %add3A_293 = arith.addi %all_reduce_ffs3A_287, %add3A_292 : vector<16xi32>
      %select_n3A_294 = arith.select %ge3A_290, %broadcast_in_dim3A_73, %add3A_293 : vector<16xi1>, vector<16xi32>
      %min3A_295 = arith.minsi %min3A_280, %select_n3A_294 : vector<16xi32>
      %broadcast_in_dim3A_296 = vector.broadcast %scan3A_144 : i32 to vector<16xi32>
      tpu.vector_store_idx %arg15[%broadcast_in_dim3A_296], %broadcast_in_dim3A_154 masked %eq3A_2 : memref<304xf32, #tpu.memory_space<vmem>>[vector<16xi32>], vector<16xf32>, vector<16xi1>
      tpu.vector_store_idx %arg16[%broadcast_in_dim3A_296], %min3A_295 masked %eq3A_2 : memref<304xi32, #tpu.memory_space<vmem>>[vector<16xi32>], vector<16xi32>, vector<16xi1>
      tpu.vector_store_idx %arg17[%broadcast_in_dim3A_296], %add3A_202 masked %eq3A_2 : memref<304xi32, #tpu.memory_space<vmem>>[vector<16xi32>], vector<16xi32>, vector<16xi1>
      %add3A_297 = arith.addi %mul3A_205, %min3A_295 : vector<16xi32>
      %broadcast_in_dim3A_298 = arith.constant -1.000000e+00 : f32
      %broadcast_in_dim3A_299 = vector.broadcast %broadcast_in_dim3A_298 : f32 to vector<16xf32>
      tpu.vector_store_idx %arg10[%add3A_297], %broadcast_in_dim3A_299 masked %eq3A_2 : memref<87552xf32, #tpu.memory_space<vmem>>[vector<16xi32>], vector<16xf32>, vector<16xi1>
      %broadcast_in_dim3A_300 = arith.constant -1.000000e+00 : f32
      %broadcast_in_dim3A_301 = vector.broadcast %broadcast_in_dim3A_300 : f32 to vector<16xf32>
      %add3A_302 = arith.constant 0 : i32
      %add3A_303 = vector.broadcast %add3A_302 : i32 to vector<16xi32>
      %add3A_304 = arith.addi %add3A_303, %iota3A : vector<16xi32>
      %eq3A_305 = arith.cmpi eq, %add3A_304, %min3A_295 : vector<16xi32>
      %broadcast_in_dim3A_306 = arith.constant -1.000000e+00 : f32
      %broadcast_in_dim3A_307 = vector.broadcast %broadcast_in_dim3A_306 : f32 to vector<16xf32>
      %select_n3A_308 = arith.select %eq3A_305, %broadcast_in_dim3A_307, %gather3A_210 : vector<16xi1>, vector<16xf32>
      %max3A_309 = arith.maximumf %broadcast_in_dim3A_301, %select_n3A_308 : vector<16xf32>
      %add3A_310 = arith.constant 16 : i32
      %add3A_311 = vector.broadcast %add3A_310 : i32 to vector<16xi32>
      %add3A_312 = arith.addi %add3A_311, %iota3A : vector<16xi32>
      %eq3A_313 = arith.cmpi eq, %add3A_312, %min3A_295 : vector<16xi32>
      %broadcast_in_dim3A_314 = arith.constant -1.000000e+00 : f32
      %broadcast_in_dim3A_315 = vector.broadcast %broadcast_in_dim3A_314 : f32 to vector<16xf32>
      %select_n3A_316 = arith.select %eq3A_313, %broadcast_in_dim3A_315, %gather3A_225 : vector<16xi1>, vector<16xf32>
      %max3A_317 = arith.maximumf %max3A_309, %select_n3A_316 : vector<16xf32>
      %add3A_318 = arith.constant 32 : i32
      %add3A_319 = vector.broadcast %add3A_318 : i32 to vector<16xi32>
      %add3A_320 = arith.addi %add3A_319, %iota3A : vector<16xi32>
      %eq3A_321 = arith.cmpi eq, %add3A_320, %min3A_295 : vector<16xi32>
      %broadcast_in_dim3A_322 = arith.constant -1.000000e+00 : f32
      %broadcast_in_dim3A_323 = vector.broadcast %broadcast_in_dim3A_322 : f32 to vector<16xf32>
      %select_n3A_324 = arith.select %eq3A_321, %broadcast_in_dim3A_323, %gather3A_240 : vector<16xi1>, vector<16xf32>
      %max3A_325 = arith.maximumf %max3A_317, %select_n3A_324 : vector<16xf32>
      %add3A_326 = arith.constant 48 : i32
      %add3A_327 = vector.broadcast %add3A_326 : i32 to vector<16xi32>
      %add3A_328 = arith.addi %add3A_327, %iota3A : vector<16xi32>
      %eq3A_329 = arith.cmpi eq, %add3A_328, %min3A_295 : vector<16xi32>
      %broadcast_in_dim3A_330 = arith.constant -1.000000e+00 : f32
      %broadcast_in_dim3A_331 = vector.broadcast %broadcast_in_dim3A_330 : f32 to vector<16xf32>
      %select_n3A_332 = arith.select %eq3A_329, %broadcast_in_dim3A_331, %gather3A_255 : vector<16xi1>, vector<16xf32>
      %max3A_333 = arith.maximumf %max3A_325, %select_n3A_332 : vector<16xf32>
      %add3A_334 = arith.constant 64 : i32
      %add3A_335 = vector.broadcast %add3A_334 : i32 to vector<16xi32>
      %add3A_336 = arith.addi %add3A_335, %iota3A : vector<16xi32>
      %eq3A_337 = arith.cmpi eq, %add3A_336, %min3A_295 : vector<16xi32>
      %broadcast_in_dim3A_338 = arith.constant -1.000000e+00 : f32
      %broadcast_in_dim3A_339 = vector.broadcast %broadcast_in_dim3A_338 : f32 to vector<16xf32>
      %select_n3A_340 = arith.select %eq3A_337, %broadcast_in_dim3A_339, %gather3A_270 : vector<16xi1>, vector<16xf32>
      %max3A_341 = arith.maximumf %max3A_333, %select_n3A_340 : vector<16xf32>
      %add3A_342 = arith.constant 80 : i32
      %add3A_343 = vector.broadcast %add3A_342 : i32 to vector<16xi32>
      %add3A_344 = arith.addi %add3A_343, %iota3A : vector<16xi32>
      %eq3A_345 = arith.cmpi eq, %add3A_344, %min3A_295 : vector<16xi32>
      %broadcast_in_dim3A_346 = arith.constant -1.000000e+00 : f32
      %broadcast_in_dim3A_347 = vector.broadcast %broadcast_in_dim3A_346 : f32 to vector<16xf32>
      %select_n3A_348 = arith.select %eq3A_345, %broadcast_in_dim3A_347, %gather3A_285 : vector<16xi1>, vector<16xf32>
      %max3A_349 = arith.maximumf %max3A_341, %select_n3A_348 : vector<16xf32>
      %reduce_max3A_350 = arith.constant true
      %reduce_max3A_351 = vector.broadcast %reduce_max3A_350 : i1 to vector<16xi1>
      %reduce_max3A_352 = tpu.scan <max>, %max3A_349 masked %reduce_max3A_351 : vector<16xf32>, vector<16xi1> -> vector<16xf32>
      %reduce_max3A_353 = vector.extract %reduce_max3A_352[15] : f32 from vector<16xf32>
      %broadcast_in_dim3A_354 = vector.broadcast %reduce_max3A_353 : f32 to vector<16xf32>
      tpu.vector_store_idx %arg13[%add3A_202], %broadcast_in_dim3A_354 masked %eq3A_2 : memref<912xf32, #tpu.memory_space<vmem>>[vector<16xi32>], vector<16xf32>, vector<16xi1>
      %eq3A_355 = arith.cmpi eq, %iota3A, %all_reduce_ffs3A_198 : vector<16xi32>
      %select_n3A_356 = arith.select %eq3A_355, %broadcast_in_dim3A_354, %gather3A_196 : vector<16xi1>, vector<16xf32>
      %reduce_max3A_357 = arith.constant true
      %reduce_max3A_358 = vector.broadcast %reduce_max3A_357 : i1 to vector<16xi1>
      %reduce_max3A_359 = tpu.scan <max>, %select_n3A_356 masked %reduce_max3A_358 : vector<16xf32>, vector<16xi1> -> vector<16xf32>
      %reduce_max3A_360 = vector.extract %reduce_max3A_359[15] : f32 from vector<16xf32>
      %broadcast_in_dim3A_361 = vector.broadcast %reduce_max3A_360 : f32 to vector<16xf32>
      %shift_right_arithmetic3A = arith.constant 4 : i32
      %shift_right_arithmetic3A_362 = vector.broadcast %shift_right_arithmetic3A : i32 to vector<16xi32>
      %shift_right_arithmetic3A_363 = arith.shrsi %min3A_191, %shift_right_arithmetic3A_362 : vector<16xi32>
      %and3A = arith.constant 15 : i32
      %and3A_364 = vector.broadcast %and3A : i32 to vector<16xi32>
      %and3A_365 = arith.andi %min3A_191, %and3A_364 : vector<16xi32>
      %eq3A_366 = arith.constant 0 : i32
      %eq3A_367 = vector.broadcast %eq3A_366 : i32 to vector<16xi32>
      %eq3A_368 = arith.cmpi eq, %shift_right_arithmetic3A_363, %eq3A_367 : vector<16xi32>
      %eq3A_369 = arith.cmpi eq, %iota3A, %and3A_365 : vector<16xi32>
      %and3A_370 = arith.andi %eq3A_368, %eq3A_369 : vector<16xi1>
      %select_n3A_371 = arith.select %and3A_370, %broadcast_in_dim3A_361, %scan3A_145 : vector<16xi1>, vector<16xf32>
      %eq3A_372 = arith.constant 1 : i32
      %eq3A_373 = vector.broadcast %eq3A_372 : i32 to vector<16xi32>
      %eq3A_374 = arith.cmpi eq, %shift_right_arithmetic3A_363, %eq3A_373 : vector<16xi32>
      %eq3A_375 = arith.cmpi eq, %iota3A, %and3A_365 : vector<16xi32>
      %and3A_376 = arith.andi %eq3A_374, %eq3A_375 : vector<16xi1>
      %select_n3A_377 = arith.select %and3A_376, %broadcast_in_dim3A_361, %scan3A_146 : vector<16xi1>, vector<16xf32>
      %eq3A_378 = arith.constant 2 : i32
      %eq3A_379 = vector.broadcast %eq3A_378 : i32 to vector<16xi32>
      %eq3A_380 = arith.cmpi eq, %shift_right_arithmetic3A_363, %eq3A_379 : vector<16xi32>
      %eq3A_381 = arith.cmpi eq, %iota3A, %and3A_365 : vector<16xi32>
      %and3A_382 = arith.andi %eq3A_380, %eq3A_381 : vector<16xi1>
      %select_n3A_383 = arith.select %and3A_382, %broadcast_in_dim3A_361, %scan3A_147 : vector<16xi1>, vector<16xf32>
      %eq3A_384 = arith.constant 3 : i32
      %eq3A_385 = vector.broadcast %eq3A_384 : i32 to vector<16xi32>
      %eq3A_386 = arith.cmpi eq, %shift_right_arithmetic3A_363, %eq3A_385 : vector<16xi32>
      %eq3A_387 = arith.cmpi eq, %iota3A, %and3A_365 : vector<16xi32>
      %and3A_388 = arith.andi %eq3A_386, %eq3A_387 : vector<16xi1>
      %select_n3A_389 = arith.select %and3A_388, %broadcast_in_dim3A_361, %scan3A_148 : vector<16xi1>, vector<16xf32>
      scf.yield %select_n3A_371, %select_n3A_377, %select_n3A_383, %select_n3A_389 : vector<16xf32>, vector<16xf32>, vector<16xf32>, vector<16xf32>
    }
    %scan3A_86 = arith.constant 300 : i32
    %parallel_loop3A_87 = arith.constant 0 : i32
    %parallel_loop3A_88 = arith.constant 19 : i32
    %parallel_loop3A_89 = arith.constant 1 : i32
    scf.for %parallel_loop3A_144 = %parallel_loop3A_87 to %parallel_loop3A_88 step %parallel_loop3A_89  : i32 {
      %parallel_loop3A_145 = arith.constant 16 : i32
      %parallel_loop3A_146 = arith.muli %parallel_loop3A_144, %parallel_loop3A_145 : i32
      %parallel_loop3A_147 = vector.broadcast %parallel_loop3A_146 : i32 to vector<16xi32>
      %parallel_loop3A_148 = arith.addi %parallel_loop3A_147, %iota3A : vector<16xi32>
      %parallel_loop3A_149 = arith.constant 300 : i32
      %parallel_loop3A_150 = vector.broadcast %parallel_loop3A_149 : i32 to vector<16xi32>
      %parallel_loop3A_151 = arith.cmpi slt, %parallel_loop3A_148, %parallel_loop3A_150 : vector<16xi32>
      %parallel_loop3A_152 = arith.constant 16 : i32
      %parallel_loop3A_153 = arith.muli %parallel_loop3A_144, %parallel_loop3A_152 : i32
      %parallel_loop3A_154 = arith.index_cast %parallel_loop3A_153 : i32 to index
      %parallel_loop3A_155 = tpu.vector_load %arg17[%parallel_loop3A_154] {strides = array<i32>} : memref<304xi32, #tpu.memory_space<vmem>>, vector<16xi32>,
      %parallel_loop3A_156 = arith.constant 4 : i32
      %parallel_loop3A_157 = vector.broadcast %parallel_loop3A_156 : i32 to vector<16xi32>
      %parallel_loop3A_158 = arith.muli %parallel_loop3A_155, %parallel_loop3A_157 : vector<16xi32>
      %parallel_loop3A_159 = tpu.vector_load_idx %arg11[%parallel_loop3A_158] : memref<3600xf32, #tpu.memory_space<vmem>>[vector<16xi32>], vector<16xf32>,
      %parallel_loop3A_160 = arith.constant 4 : i32
      %parallel_loop3A_161 = vector.broadcast %parallel_loop3A_160 : i32 to vector<16xi32>
      %parallel_loop3A_162 = arith.muli %parallel_loop3A_155, %parallel_loop3A_161 : vector<16xi32>
      %parallel_loop3A_163 = arith.constant 1 : i32
      %parallel_loop3A_164 = vector.broadcast %parallel_loop3A_163 : i32 to vector<16xi32>
      %parallel_loop3A_165 = arith.addi %parallel_loop3A_162, %parallel_loop3A_164 : vector<16xi32>
      %parallel_loop3A_166 = tpu.vector_load_idx %arg11[%parallel_loop3A_165] : memref<3600xf32, #tpu.memory_space<vmem>>[vector<16xi32>], vector<16xf32>,
      %parallel_loop3A_167 = arith.constant 4 : i32
      %parallel_loop3A_168 = vector.broadcast %parallel_loop3A_167 : i32 to vector<16xi32>
      %parallel_loop3A_169 = arith.muli %parallel_loop3A_155, %parallel_loop3A_168 : vector<16xi32>
      %parallel_loop3A_170 = arith.constant 2 : i32
      %parallel_loop3A_171 = vector.broadcast %parallel_loop3A_170 : i32 to vector<16xi32>
      %parallel_loop3A_172 = arith.addi %parallel_loop3A_169, %parallel_loop3A_171 : vector<16xi32>
      %parallel_loop3A_173 = tpu.vector_load_idx %arg11[%parallel_loop3A_172] : memref<3600xf32, #tpu.memory_space<vmem>>[vector<16xi32>], vector<16xf32>,
      %parallel_loop3A_174 = arith.constant 4 : i32
      %parallel_loop3A_175 = vector.broadcast %parallel_loop3A_174 : i32 to vector<16xi32>
      %parallel_loop3A_176 = arith.muli %parallel_loop3A_155, %parallel_loop3A_175 : vector<16xi32>
      %parallel_loop3A_177 = arith.constant 3 : i32
      %parallel_loop3A_178 = vector.broadcast %parallel_loop3A_177 : i32 to vector<16xi32>
      %parallel_loop3A_179 = arith.addi %parallel_loop3A_176, %parallel_loop3A_178 : vector<16xi32>
      %parallel_loop3A_180 = tpu.vector_load_idx %arg11[%parallel_loop3A_179] : memref<3600xf32, #tpu.memory_space<vmem>>[vector<16xi32>], vector<16xf32>,
      %parallel_loop3A_181 = arith.constant 4 : i32
      %parallel_loop3A_182 = vector.broadcast %parallel_loop3A_181 : i32 to vector<16xi32>
      %parallel_loop3A_183 = arith.muli %parallel_loop3A_148, %parallel_loop3A_182 : vector<16xi32>
      %parallel_loop3A_184 = arith.constant 5.000000e-01 : f32
      %parallel_loop3A_185 = vector.broadcast %parallel_loop3A_184 : f32 to vector<16xf32>
      %parallel_loop3A_186 = arith.mulf %parallel_loop3A_185, %parallel_loop3A_173 : vector<16xf32>
      %parallel_loop3A_187 = arith.subf %parallel_loop3A_159, %parallel_loop3A_186 : vector<16xf32>
      %parallel_loop3A_188 = arith.mulf %parallel_loop3A_187, %gather3A_54 : vector<16xf32>
      tpu.vector_store_idx %arg18[%parallel_loop3A_183], %parallel_loop3A_188 masked %parallel_loop3A_151 : memref<1216xf32, #tpu.memory_space<vmem>>[vector<16xi32>], vector<16xf32>, vector<16xi1>
      %parallel_loop3A_189 = arith.constant 4 : i32
      %parallel_loop3A_190 = vector.broadcast %parallel_loop3A_189 : i32 to vector<16xi32>
      %parallel_loop3A_191 = arith.muli %parallel_loop3A_148, %parallel_loop3A_190 : vector<16xi32>
      %parallel_loop3A_192 = arith.constant 1 : i32
      %parallel_loop3A_193 = vector.broadcast %parallel_loop3A_192 : i32 to vector<16xi32>
      %parallel_loop3A_194 = arith.addi %parallel_loop3A_191, %parallel_loop3A_193 : vector<16xi32>
      %parallel_loop3A_195 = arith.constant 5.000000e-01 : f32
      %parallel_loop3A_196 = vector.broadcast %parallel_loop3A_195 : f32 to vector<16xf32>
      %parallel_loop3A_197 = arith.mulf %parallel_loop3A_196, %parallel_loop3A_180 : vector<16xf32>
      %parallel_loop3A_198 = arith.subf %parallel_loop3A_166, %parallel_loop3A_197 : vector<16xf32>
      %parallel_loop3A_199 = arith.mulf %parallel_loop3A_198, %gather3A_60 : vector<16xf32>
      tpu.vector_store_idx %arg18[%parallel_loop3A_194], %parallel_loop3A_199 masked %parallel_loop3A_151 : memref<1216xf32, #tpu.memory_space<vmem>>[vector<16xi32>], vector<16xf32>, vector<16xi1>
      %parallel_loop3A_200 = arith.constant 4 : i32
      %parallel_loop3A_201 = vector.broadcast %parallel_loop3A_200 : i32 to vector<16xi32>
      %parallel_loop3A_202 = arith.muli %parallel_loop3A_148, %parallel_loop3A_201 : vector<16xi32>
      %parallel_loop3A_203 = arith.constant 2 : i32
      %parallel_loop3A_204 = vector.broadcast %parallel_loop3A_203 : i32 to vector<16xi32>
      %parallel_loop3A_205 = arith.addi %parallel_loop3A_202, %parallel_loop3A_204 : vector<16xi32>
      %parallel_loop3A_206 = arith.constant 5.000000e-01 : f32
      %parallel_loop3A_207 = vector.broadcast %parallel_loop3A_206 : f32 to vector<16xf32>
      %parallel_loop3A_208 = arith.mulf %parallel_loop3A_207, %parallel_loop3A_173 : vector<16xf32>
      %parallel_loop3A_209 = arith.addf %parallel_loop3A_159, %parallel_loop3A_208 : vector<16xf32>
      %parallel_loop3A_210 = arith.mulf %parallel_loop3A_209, %gather3A_54 : vector<16xf32>
      tpu.vector_store_idx %arg18[%parallel_loop3A_205], %parallel_loop3A_210 masked %parallel_loop3A_151 : memref<1216xf32, #tpu.memory_space<vmem>>[vector<16xi32>], vector<16xf32>, vector<16xi1>
      %parallel_loop3A_211 = arith.constant 4 : i32
      %parallel_loop3A_212 = vector.broadcast %parallel_loop3A_211 : i32 to vector<16xi32>
      %parallel_loop3A_213 = arith.muli %parallel_loop3A_148, %parallel_loop3A_212 : vector<16xi32>
      %parallel_loop3A_214 = arith.constant 3 : i32
      %parallel_loop3A_215 = vector.broadcast %parallel_loop3A_214 : i32 to vector<16xi32>
      %parallel_loop3A_216 = arith.addi %parallel_loop3A_213, %parallel_loop3A_215 : vector<16xi32>
      %parallel_loop3A_217 = arith.constant 5.000000e-01 : f32
      %parallel_loop3A_218 = vector.broadcast %parallel_loop3A_217 : f32 to vector<16xf32>
      %parallel_loop3A_219 = arith.mulf %parallel_loop3A_218, %parallel_loop3A_180 : vector<16xf32>
      %parallel_loop3A_220 = arith.addf %parallel_loop3A_166, %parallel_loop3A_219 : vector<16xf32>
      %parallel_loop3A_221 = arith.mulf %parallel_loop3A_220, %gather3A_60 : vector<16xf32>
      tpu.vector_store_idx %arg18[%parallel_loop3A_216], %parallel_loop3A_221 masked %parallel_loop3A_151 : memref<1216xf32, #tpu.memory_space<vmem>>[vector<16xi32>], vector<16xf32>, vector<16xi1>
    } {sc.loop_unroll_factor = 2 : i64, sc.parallel_access}
    %parallel_loop3A_90 = arith.constant 0 : i32
    %parallel_loop3A_91 = arith.constant 19 : i32
    %parallel_loop3A_92 = arith.constant 1 : i32
    scf.for %parallel_loop3A_144 = %parallel_loop3A_90 to %parallel_loop3A_91 step %parallel_loop3A_92  : i32 {
      %parallel_loop3A_145 = arith.constant 16 : i32
      %parallel_loop3A_146 = arith.muli %parallel_loop3A_144, %parallel_loop3A_145 : i32
      %parallel_loop3A_147 = vector.broadcast %parallel_loop3A_146 : i32 to vector<16xi32>
      %parallel_loop3A_148 = arith.addi %parallel_loop3A_147, %iota3A : vector<16xi32>
      %parallel_loop3A_149 = arith.constant 300 : i32
      %parallel_loop3A_150 = vector.broadcast %parallel_loop3A_149 : i32 to vector<16xi32>
      %parallel_loop3A_151 = arith.cmpi slt, %parallel_loop3A_148, %parallel_loop3A_150 : vector<16xi32>
      %parallel_loop3A_152 = arith.constant 16 : i32
      %parallel_loop3A_153 = arith.muli %parallel_loop3A_144, %parallel_loop3A_152 : i32
      %parallel_loop3A_154 = arith.index_cast %parallel_loop3A_153 : i32 to index
      %parallel_loop3A_155 = tpu.vector_load %arg15[%parallel_loop3A_154] {strides = array<i32>} : memref<304xf32, #tpu.memory_space<vmem>>, vector<16xf32>,
      %parallel_loop3A_156 = arith.constant 16 : i32
      %parallel_loop3A_157 = arith.muli %parallel_loop3A_144, %parallel_loop3A_156 : i32
      %parallel_loop3A_158 = arith.index_cast %parallel_loop3A_157 : i32 to index
      %parallel_loop3A_159 = tpu.vector_load %arg17[%parallel_loop3A_158] {strides = array<i32>} : memref<304xi32, #tpu.memory_space<vmem>>, vector<16xi32>,
      %parallel_loop3A_160 = arith.constant 16 : i32
      %parallel_loop3A_161 = arith.muli %parallel_loop3A_144, %parallel_loop3A_160 : i32
      %parallel_loop3A_162 = arith.index_cast %parallel_loop3A_161 : i32 to index
      %parallel_loop3A_163 = tpu.vector_load %arg16[%parallel_loop3A_162] {strides = array<i32>} : memref<304xi32, #tpu.memory_space<vmem>>, vector<16xi32>,
      %parallel_loop3A_164 = arith.constant 96 : i32
      %parallel_loop3A_165 = vector.broadcast %parallel_loop3A_164 : i32 to vector<16xi32>
      %parallel_loop3A_166 = arith.muli %parallel_loop3A_159, %parallel_loop3A_165 : vector<16xi32>
      %parallel_loop3A_167 = arith.addi %parallel_loop3A_166, %parallel_loop3A_163 : vector<16xi32>
      tpu.vector_store_idx %arg10[%parallel_loop3A_167], %parallel_loop3A_155 masked %parallel_loop3A_151 : memref<87552xf32, #tpu.memory_space<vmem>>[vector<16xi32>], vector<16xf32>, vector<16xi1>
    } {sc.loop_unroll_factor = 2 : i64, sc.parallel_access}
    %parallel_loop3A_93 = arith.constant 0 : i32
    %parallel_loop3A_94 = arith.constant 300 : i32
    %parallel_loop3A_95 = arith.constant 1 : i32
    scf.for %parallel_loop3A_144 = %parallel_loop3A_93 to %parallel_loop3A_94 step %parallel_loop3A_95  : i32 {
      %parallel_loop3A_145 = vector.broadcast %parallel_loop3A_144 : i32 to vector<16xi32>
      %parallel_loop3A_146 = tpu.vector_load_idx %arg17[%parallel_loop3A_145] : memref<304xi32, #tpu.memory_space<vmem>>[vector<16xi32>], vector<16xi32>,
      %parallel_loop3A_147 = arith.constant 96 : i32
      %parallel_loop3A_148 = vector.broadcast %parallel_loop3A_147 : i32 to vector<16xi32>
      %parallel_loop3A_149 = arith.muli %parallel_loop3A_146, %parallel_loop3A_148 : vector<16xi32>
      %parallel_loop3A_150 = arith.addi %parallel_loop3A_149, %iota3A : vector<16xi32>
      %parallel_loop3A_151 = arith.constant 0 : i32
      %parallel_loop3A_152 = vector.broadcast %parallel_loop3A_151 : i32 to vector<16xi32>
      %parallel_loop3A_153 = arith.addi %parallel_loop3A_150, %parallel_loop3A_152 : vector<16xi32>
      %parallel_loop3A_154 = tpu.vector_load_idx %arg10[%parallel_loop3A_153] : memref<87552xf32, #tpu.memory_space<vmem>>[vector<16xi32>], vector<16xf32>,
      %parallel_loop3A_155 = arith.constant 96 : i32
      %parallel_loop3A_156 = arith.muli %parallel_loop3A_144, %parallel_loop3A_155 : i32
      %parallel_loop3A_157 = arith.constant 0 : i32
      %parallel_loop3A_158 = arith.addi %parallel_loop3A_156, %parallel_loop3A_157 : i32
      %parallel_loop3A_159 = arith.index_cast %parallel_loop3A_158 : i32 to index
      %parallel_loop3A_160 = tpu.vector_load %arg19[%parallel_loop3A_159] {strides = array<i32>} : memref<28800xf32, #tpu.memory_space<vmem>>, vector<16xf32>,
      tpu.vector_store %arg19[%parallel_loop3A_159], %parallel_loop3A_154 {strides = array<i32>} : memref<28800xf32, #tpu.memory_space<vmem>>, vector<16xf32>,
      %parallel_loop3A_161 = arith.constant 16 : i32
      %parallel_loop3A_162 = vector.broadcast %parallel_loop3A_161 : i32 to vector<16xi32>
      %parallel_loop3A_163 = arith.addi %parallel_loop3A_150, %parallel_loop3A_162 : vector<16xi32>
      %parallel_loop3A_164 = tpu.vector_load_idx %arg10[%parallel_loop3A_163] : memref<87552xf32, #tpu.memory_space<vmem>>[vector<16xi32>], vector<16xf32>,
      %parallel_loop3A_165 = arith.constant 96 : i32
      %parallel_loop3A_166 = arith.muli %parallel_loop3A_144, %parallel_loop3A_165 : i32
      %parallel_loop3A_167 = arith.constant 16 : i32
      %parallel_loop3A_168 = arith.addi %parallel_loop3A_166, %parallel_loop3A_167 : i32
      %parallel_loop3A_169 = arith.index_cast %parallel_loop3A_168 : i32 to index
      %parallel_loop3A_170 = tpu.vector_load %arg19[%parallel_loop3A_169] {strides = array<i32>} : memref<28800xf32, #tpu.memory_space<vmem>>, vector<16xf32>,
      tpu.vector_store %arg19[%parallel_loop3A_169], %parallel_loop3A_164 {strides = array<i32>} : memref<28800xf32, #tpu.memory_space<vmem>>, vector<16xf32>,
      %parallel_loop3A_171 = arith.constant 32 : i32
      %parallel_loop3A_172 = vector.broadcast %parallel_loop3A_171 : i32 to vector<16xi32>
      %parallel_loop3A_173 = arith.addi %parallel_loop3A_150, %parallel_loop3A_172 : vector<16xi32>
      %parallel_loop3A_174 = tpu.vector_load_idx %arg10[%parallel_loop3A_173] : memref<87552xf32, #tpu.memory_space<vmem>>[vector<16xi32>], vector<16xf32>,
      %parallel_loop3A_175 = arith.constant 96 : i32
      %parallel_loop3A_176 = arith.muli %parallel_loop3A_144, %parallel_loop3A_175 : i32
      %parallel_loop3A_177 = arith.constant 32 : i32
      %parallel_loop3A_178 = arith.addi %parallel_loop3A_176, %parallel_loop3A_177 : i32
      %parallel_loop3A_179 = arith.index_cast %parallel_loop3A_178 : i32 to index
      %parallel_loop3A_180 = tpu.vector_load %arg19[%parallel_loop3A_179] {strides = array<i32>} : memref<28800xf32, #tpu.memory_space<vmem>>, vector<16xf32>,
      tpu.vector_store %arg19[%parallel_loop3A_179], %parallel_loop3A_174 {strides = array<i32>} : memref<28800xf32, #tpu.memory_space<vmem>>, vector<16xf32>,
      %parallel_loop3A_181 = arith.constant 48 : i32
      %parallel_loop3A_182 = vector.broadcast %parallel_loop3A_181 : i32 to vector<16xi32>
      %parallel_loop3A_183 = arith.addi %parallel_loop3A_150, %parallel_loop3A_182 : vector<16xi32>
      %parallel_loop3A_184 = tpu.vector_load_idx %arg10[%parallel_loop3A_183] : memref<87552xf32, #tpu.memory_space<vmem>>[vector<16xi32>], vector<16xf32>,
      %parallel_loop3A_185 = arith.constant 96 : i32
      %parallel_loop3A_186 = arith.muli %parallel_loop3A_144, %parallel_loop3A_185 : i32
      %parallel_loop3A_187 = arith.constant 48 : i32
      %parallel_loop3A_188 = arith.addi %parallel_loop3A_186, %parallel_loop3A_187 : i32
      %parallel_loop3A_189 = arith.index_cast %parallel_loop3A_188 : i32 to index
      %parallel_loop3A_190 = tpu.vector_load %arg19[%parallel_loop3A_189] {strides = array<i32>} : memref<28800xf32, #tpu.memory_space<vmem>>, vector<16xf32>,
      tpu.vector_store %arg19[%parallel_loop3A_189], %parallel_loop3A_184 {strides = array<i32>} : memref<28800xf32, #tpu.memory_space<vmem>>, vector<16xf32>,
      %parallel_loop3A_191 = arith.constant 64 : i32
      %parallel_loop3A_192 = vector.broadcast %parallel_loop3A_191 : i32 to vector<16xi32>
      %parallel_loop3A_193 = arith.addi %parallel_loop3A_150, %parallel_loop3A_192 : vector<16xi32>
      %parallel_loop3A_194 = tpu.vector_load_idx %arg10[%parallel_loop3A_193] : memref<87552xf32, #tpu.memory_space<vmem>>[vector<16xi32>], vector<16xf32>,
      %parallel_loop3A_195 = arith.constant 96 : i32
      %parallel_loop3A_196 = arith.muli %parallel_loop3A_144, %parallel_loop3A_195 : i32
      %parallel_loop3A_197 = arith.constant 64 : i32
      %parallel_loop3A_198 = arith.addi %parallel_loop3A_196, %parallel_loop3A_197 : i32
      %parallel_loop3A_199 = arith.index_cast %parallel_loop3A_198 : i32 to index
      %parallel_loop3A_200 = tpu.vector_load %arg19[%parallel_loop3A_199] {strides = array<i32>} : memref<28800xf32, #tpu.memory_space<vmem>>, vector<16xf32>,
      tpu.vector_store %arg19[%parallel_loop3A_199], %parallel_loop3A_194 {strides = array<i32>} : memref<28800xf32, #tpu.memory_space<vmem>>, vector<16xf32>,
      %parallel_loop3A_201 = arith.constant 80 : i32
      %parallel_loop3A_202 = vector.broadcast %parallel_loop3A_201 : i32 to vector<16xi32>
      %parallel_loop3A_203 = arith.addi %parallel_loop3A_150, %parallel_loop3A_202 : vector<16xi32>
      %parallel_loop3A_204 = tpu.vector_load_idx %arg10[%parallel_loop3A_203] : memref<87552xf32, #tpu.memory_space<vmem>>[vector<16xi32>], vector<16xf32>,
      %parallel_loop3A_205 = arith.constant 96 : i32
      %parallel_loop3A_206 = arith.muli %parallel_loop3A_144, %parallel_loop3A_205 : i32
      %parallel_loop3A_207 = arith.constant 80 : i32
      %parallel_loop3A_208 = arith.addi %parallel_loop3A_206, %parallel_loop3A_207 : i32
      %parallel_loop3A_209 = arith.index_cast %parallel_loop3A_208 : i32 to index
      %parallel_loop3A_210 = tpu.vector_load %arg19[%parallel_loop3A_209] {strides = array<i32>} : memref<28800xf32, #tpu.memory_space<vmem>>, vector<16xf32>,
      tpu.vector_store %arg19[%parallel_loop3A_209], %parallel_loop3A_204 {strides = array<i32>} : memref<28800xf32, #tpu.memory_space<vmem>>, vector<16xf32>,
    } {sc.loop_unroll_factor = 2 : i64, sc.parallel_access}
    %dma_start3A_96 = arith.constant 0 : i32
    %dma_start3A_97 = tpu.memref_slice %arg6[%add3A, %dma_start3A_96] : memref<32x304xf32, #tpu.memory_space<hbm>> -> memref<1x304xf32, #tpu.memory_space<hbm>>
    %dma_start3A_98 = tpu.memref_squeeze %dma_start3A_97 : memref<1x304xf32, #tpu.memory_space<hbm>> -> memref<304xf32, #tpu.memory_space<hbm>>
    %dma_start3A_99 = arith.constant 0 : i32
    %dma_start3A_100 = tpu.memref_slice %arg6[%add3A, %dma_start3A_99] : memref<32x304xf32, #tpu.memory_space<hbm>> -> memref<1x304xf32, #tpu.memory_space<hbm>>
    %dma_start3A_101 = tpu.memref_squeeze %dma_start3A_100 : memref<1x304xf32, #tpu.memory_space<hbm>> -> memref<304xf32, #tpu.memory_space<hbm>>
    tpu.enqueue_dma source(%arg15 : memref<304xf32, #tpu.memory_space<vmem>>) target(%dma_start3A_101 : memref<304xf32, #tpu.memory_space<hbm>>) target_semaphore(%arg20 : memref<!tpu.dma_semaphore, #tpu.memory_space<semaphore_mem>>)
    %dma_start3A_102 = arith.constant 0 : i32
    %dma_start3A_103 = tpu.memref_slice %arg7[%add3A, %dma_start3A_102] : memref<32x304xi32, #tpu.memory_space<hbm>> -> memref<1x304xi32, #tpu.memory_space<hbm>>
    %dma_start3A_104 = tpu.memref_squeeze %dma_start3A_103 : memref<1x304xi32, #tpu.memory_space<hbm>> -> memref<304xi32, #tpu.memory_space<hbm>>
    %dma_start3A_105 = arith.constant 0 : i32
    %dma_start3A_106 = tpu.memref_slice %arg7[%add3A, %dma_start3A_105] : memref<32x304xi32, #tpu.memory_space<hbm>> -> memref<1x304xi32, #tpu.memory_space<hbm>>
    %dma_start3A_107 = tpu.memref_squeeze %dma_start3A_106 : memref<1x304xi32, #tpu.memory_space<hbm>> -> memref<304xi32, #tpu.memory_space<hbm>>
    tpu.enqueue_dma source(%arg16 : memref<304xi32, #tpu.memory_space<vmem>>) target(%dma_start3A_107 : memref<304xi32, #tpu.memory_space<hbm>>) target_semaphore(%arg20 : memref<!tpu.dma_semaphore, #tpu.memory_space<semaphore_mem>>)
    %dma_start3A_108 = arith.constant 0 : i32
    %dma_start3A_109 = tpu.memref_slice %arg8[%add3A, %dma_start3A_108] : memref<32x1216xf32, #tpu.memory_space<hbm>> -> memref<1x1216xf32, #tpu.memory_space<hbm>>
    %dma_start3A_110 = tpu.memref_squeeze %dma_start3A_109 : memref<1x1216xf32, #tpu.memory_space<hbm>> -> memref<1216xf32, #tpu.memory_space<hbm>>
    %dma_start3A_111 = arith.constant 0 : i32
    %dma_start3A_112 = tpu.memref_slice %arg8[%add3A, %dma_start3A_111] : memref<32x1216xf32, #tpu.memory_space<hbm>> -> memref<1x1216xf32, #tpu.memory_space<hbm>>
    %dma_start3A_113 = tpu.memref_squeeze %dma_start3A_112 : memref<1x1216xf32, #tpu.memory_space<hbm>> -> memref<1216xf32, #tpu.memory_space<hbm>>
    tpu.enqueue_dma source(%arg18 : memref<1216xf32, #tpu.memory_space<vmem>>) target(%dma_start3A_113 : memref<1216xf32, #tpu.memory_space<hbm>>) target_semaphore(%arg20 : memref<!tpu.dma_semaphore, #tpu.memory_space<semaphore_mem>>)
    %dma_start3A_114 = arith.constant 0 : i32
    %dma_start3A_115 = tpu.memref_slice %arg9[%add3A, %dma_start3A_114] : memref<32x28800xf32, #tpu.memory_space<hbm>> -> memref<1x28800xf32, #tpu.memory_space<hbm>>
    %dma_start3A_116 = tpu.memref_squeeze %dma_start3A_115 : memref<1x28800xf32, #tpu.memory_space<hbm>> -> memref<28800xf32, #tpu.memory_space<hbm>>
    %dma_start3A_117 = arith.constant 0 : i32
    %dma_start3A_118 = tpu.memref_slice %arg9[%add3A, %dma_start3A_117] : memref<32x28800xf32, #tpu.memory_space<hbm>> -> memref<1x28800xf32, #tpu.memory_space<hbm>>
    %dma_start3A_119 = tpu.memref_squeeze %dma_start3A_118 : memref<1x28800xf32, #tpu.memory_space<hbm>> -> memref<28800xf32, #tpu.memory_space<hbm>>
    tpu.enqueue_dma source(%arg19 : memref<28800xf32, #tpu.memory_space<vmem>>) target(%dma_start3A_119 : memref<28800xf32, #tpu.memory_space<hbm>>) target_semaphore(%arg20 : memref<!tpu.dma_semaphore, #tpu.memory_space<semaphore_mem>>)
    %dma_wait3A_120 = arith.constant 0 : i32
    %dma_wait3A_121 = tpu.memref_slice %arg6[%add3A, %dma_wait3A_120] : memref<32x304xf32, #tpu.memory_space<hbm>> -> memref<1x304xf32, #tpu.memory_space<hbm>>
    %dma_wait3A_122 = tpu.memref_squeeze %dma_wait3A_121 : memref<1x304xf32, #tpu.memory_space<hbm>> -> memref<304xf32, #tpu.memory_space<hbm>>
    %dma_wait3A_123 = arith.constant 0 : i32
    %dma_wait3A_124 = tpu.memref_slice %arg6[%add3A, %dma_wait3A_123] : memref<32x304xf32, #tpu.memory_space<hbm>> -> memref<1x304xf32, #tpu.memory_space<hbm>>
    %dma_wait3A_125 = tpu.memref_squeeze %dma_wait3A_124 : memref<1x304xf32, #tpu.memory_space<hbm>> -> memref<304xf32, #tpu.memory_space<hbm>>
    tpu.wait_dma2 semaphore(%arg20 : memref<!tpu.dma_semaphore, #tpu.memory_space<semaphore_mem>>) src(%arg15 : memref<304xf32, #tpu.memory_space<vmem>>) dst(%dma_wait3A_125 : memref<304xf32, #tpu.memory_space<hbm>>)
    %dma_wait3A_126 = arith.constant 0 : i32
    %dma_wait3A_127 = tpu.memref_slice %arg7[%add3A, %dma_wait3A_126] : memref<32x304xi32, #tpu.memory_space<hbm>> -> memref<1x304xi32, #tpu.memory_space<hbm>>
    %dma_wait3A_128 = tpu.memref_squeeze %dma_wait3A_127 : memref<1x304xi32, #tpu.memory_space<hbm>> -> memref<304xi32, #tpu.memory_space<hbm>>
    %dma_wait3A_129 = arith.constant 0 : i32
    %dma_wait3A_130 = tpu.memref_slice %arg7[%add3A, %dma_wait3A_129] : memref<32x304xi32, #tpu.memory_space<hbm>> -> memref<1x304xi32, #tpu.memory_space<hbm>>
    %dma_wait3A_131 = tpu.memref_squeeze %dma_wait3A_130 : memref<1x304xi32, #tpu.memory_space<hbm>> -> memref<304xi32, #tpu.memory_space<hbm>>
    tpu.wait_dma2 semaphore(%arg20 : memref<!tpu.dma_semaphore, #tpu.memory_space<semaphore_mem>>) src(%arg16 : memref<304xi32, #tpu.memory_space<vmem>>) dst(%dma_wait3A_131 : memref<304xi32, #tpu.memory_space<hbm>>)
    %dma_wait3A_132 = arith.constant 0 : i32
    %dma_wait3A_133 = tpu.memref_slice %arg8[%add3A, %dma_wait3A_132] : memref<32x1216xf32, #tpu.memory_space<hbm>> -> memref<1x1216xf32, #tpu.memory_space<hbm>>
    %dma_wait3A_134 = tpu.memref_squeeze %dma_wait3A_133 : memref<1x1216xf32, #tpu.memory_space<hbm>> -> memref<1216xf32, #tpu.memory_space<hbm>>
    %dma_wait3A_135 = arith.constant 0 : i32
    %dma_wait3A_136 = tpu.memref_slice %arg8[%add3A, %dma_wait3A_135] : memref<32x1216xf32, #tpu.memory_space<hbm>> -> memref<1x1216xf32, #tpu.memory_space<hbm>>
    %dma_wait3A_137 = tpu.memref_squeeze %dma_wait3A_136 : memref<1x1216xf32, #tpu.memory_space<hbm>> -> memref<1216xf32, #tpu.memory_space<hbm>>
    tpu.wait_dma2 semaphore(%arg20 : memref<!tpu.dma_semaphore, #tpu.memory_space<semaphore_mem>>) src(%arg18 : memref<1216xf32, #tpu.memory_space<vmem>>) dst(%dma_wait3A_137 : memref<1216xf32, #tpu.memory_space<hbm>>)
    %dma_wait3A_138 = arith.constant 0 : i32
    %dma_wait3A_139 = tpu.memref_slice %arg9[%add3A, %dma_wait3A_138] : memref<32x28800xf32, #tpu.memory_space<hbm>> -> memref<1x28800xf32, #tpu.memory_space<hbm>>
    %dma_wait3A_140 = tpu.memref_squeeze %dma_wait3A_139 : memref<1x28800xf32, #tpu.memory_space<hbm>> -> memref<28800xf32, #tpu.memory_space<hbm>>
    %dma_wait3A_141 = arith.constant 0 : i32
    %dma_wait3A_142 = tpu.memref_slice %arg9[%add3A, %dma_wait3A_141] : memref<32x28800xf32, #tpu.memory_space<hbm>> -> memref<1x28800xf32, #tpu.memory_space<hbm>>
    %dma_wait3A_143 = tpu.memref_squeeze %dma_wait3A_142 : memref<1x28800xf32, #tpu.memory_space<hbm>> -> memref<28800xf32, #tpu.memory_space<hbm>>
    tpu.wait_dma2 semaphore(%arg20 : memref<!tpu.dma_semaphore, #tpu.memory_space<semaphore_mem>>) src(%arg19 : memref<28800xf32, #tpu.memory_space<vmem>>) dst(%dma_wait3A_143 : memref<28800xf32, #tpu.memory_space<hbm>>)
    return
  }
}

module attributes {stable_mosaic.version = 14 : i64} {
  func.func @_score_body(%arg0: i32, %arg1: memref<1x900x256xf32, #tpu.memory_space<vmem>>, %arg2: memref<1x96x256xf32, #tpu.memory_space<vmem>>, %arg3: memref<1x912x96xf32, #tpu.memory_space<vmem>>, %arg4: memref<1x1x912xf32, #tpu.memory_space<vmem>>) attributes {dimension_semantics = [#tpu.dimension_semantics<arbitrary>], iteration_bounds = array<i64: 32>, scalar_prefetch = 0 : i64, scratch_operands = 0 : i64, tpu.core_type = #tpu.core_type<tc>, window_params = [{transform_indices = @transform_0, window_bounds = array<i64: 1, 900, 256>}, {transform_indices = @transform_1, window_bounds = array<i64: 1, 96, 256>}, {transform_indices = @transform_2, window_bounds = array<i64: 1, 912, 96>}, {transform_indices = @transform_3, window_bounds = array<i64: 1, 1, 912>}]} {
    %get3A = arith.constant 0 : index
    %get3A_0 = arith.constant 0 : index
    %get3A_1 = arith.constant 0 : index
    %get3A_2 = vector.load %arg1[%get3A, %get3A_0, %get3A_1] : memref<1x900x256xf32, #tpu.memory_space<vmem>>, vector<1x900x256xf32>
    %get3A_3 = vector.shape_cast %get3A_2 : vector<1x900x256xf32> to vector<900x256xf32>
    %logistic3A = arith.negf %get3A_3 : vector<900x256xf32>
    %logistic3A_4 = math.exp %logistic3A : vector<900x256xf32>
    %logistic3A_5 = arith.constant 1.000000e+00 : f32
    %logistic3A_6 = vector.broadcast %logistic3A_5 : f32 to vector<900x256xf32>
    %logistic3A_7 = arith.addf %logistic3A_6, %logistic3A_4 : vector<900x256xf32>
    %logistic3A_8 = arith.divf %logistic3A_6, %logistic3A_7 : vector<900x256xf32>
    %broadcast_in_dim3A = arith.constant 0.000000e+00 : f32
    %broadcast_in_dim3A_9 = vector.broadcast %broadcast_in_dim3A : f32 to vector<12x256xf32>
    %concatenate3A = tpu.concatenate %logistic3A_8, %broadcast_in_dim3A_9 in 0 : vector<900x256xf32>, vector<12x256xf32> -> vector<912x256xf32>
    %get3A_10 = arith.constant 0 : index
    %get3A_11 = arith.constant 0 : index
    %get3A_12 = arith.constant 0 : index
    %get3A_13 = vector.load %arg2[%get3A_10, %get3A_11, %get3A_12] : memref<1x96x256xf32, #tpu.memory_space<vmem>>, vector<1x96x256xf32>
    %get3A_14 = vector.shape_cast %get3A_13 : vector<1x96x256xf32> to vector<96x256xf32>
    %dot_general3A = arith.constant dense<0.000000e+00> : vector<912x96xf32>
    %dot_general3A_15 = tpu.matmul %concatenate3A, %get3A_14, %dot_general3A {dimension_numbers = #tpu.dot_dimension_numbers<[1], [1], [0], [0], [0, 0, 1, 0], [], []>, transpose_lhs_hint = false} : vector<912x256xf32>, vector<96x256xf32>, vector<912x96xf32> -> vector<912x96xf32>
    %iota3A = tpu.iota {dimensions = array<i32: 0>} : vector<912x96xi32>
    %iota3A_16 = tpu.iota {dimensions = array<i32: 1>} : vector<912x96xi32>
    %ge3A = arith.constant 900 : i32
    %ge3A_17 = vector.broadcast %ge3A : i32 to vector<912x96xi32>
    %ge3A_18 = arith.cmpi sge, %iota3A, %ge3A_17 : vector<912x96xi32>
    %ge3A_19 = arith.constant 92 : i32
    %ge3A_20 = vector.broadcast %ge3A_19 : i32 to vector<912x96xi32>
    %ge3A_21 = arith.cmpi sge, %iota3A_16, %ge3A_20 : vector<912x96xi32>
    %or3A = arith.ori %ge3A_18, %ge3A_21 : vector<912x96xi1>
    %jit3A = arith.constant -1.000000e+00 : f32
    %broadcast_in_dim3A_22 = vector.broadcast %jit3A : f32 to vector<912x96xf32>
    %select_n3A = arith.select %or3A, %broadcast_in_dim3A_22, %dot_general3A_15 : vector<912x96xi1>, vector<912x96xf32>
    %swap3A = arith.constant 0 : index
    %swap3A_23 = arith.constant 0 : index
    %swap3A_24 = arith.constant 0 : index
    %swap3A_25 = vector.load %arg3[%swap3A, %swap3A_23, %swap3A_24] : memref<1x912x96xf32, #tpu.memory_space<vmem>>, vector<1x912x96xf32>
    %swap3A_26 = vector.shape_cast %swap3A_25 : vector<1x912x96xf32> to vector<912x96xf32>
    %swap3A_27 = vector.shape_cast %select_n3A : vector<912x96xf32> to vector<1x912x96xf32>
    tpu.vector_store %arg3[%swap3A, %swap3A_23, %swap3A_24], %swap3A_27 {strides = array<i32>} : memref<1x912x96xf32, #tpu.memory_space<vmem>>, vector<1x912x96xf32>,
    %reduce_max3A = arith.constant dense<0xFF800000> : vector<912xf32>
    %reduce_max3A_28 = vector.multi_reduction <maximumf>, %select_n3A, %reduce_max3A [1] : vector<912x96xf32> to vector<912xf32>
    %swap3A_29 = arith.constant 0 : index
    %swap3A_30 = arith.constant 0 : index
    %swap3A_31 = arith.constant 0 : index
    %swap3A_32 = vector.load %arg4[%swap3A_29, %swap3A_30, %swap3A_31] : memref<1x1x912xf32, #tpu.memory_space<vmem>>, vector<1x1x912xf32>
    %swap3A_33 = vector.shape_cast %swap3A_32 : vector<1x1x912xf32> to vector<912xf32>
    %swap3A_34 = vector.shape_cast %reduce_max3A_28 : vector<912xf32> to vector<1x1x912xf32>
    tpu.vector_store %arg4[%swap3A_29, %swap3A_30, %swap3A_31], %swap3A_34 {strides = array<i32>} : memref<1x1x912xf32, #tpu.memory_space<vmem>>, vector<1x1x912xf32>,
    return
  }
  func.func @transform_0(%arg0: i32) -> (i32, i32, i32) {
    %c0_i32 = arith.constant 0 : i32
    %c0_i32_0 = arith.constant 0 : i32
    %c0_i32_1 = arith.constant 0 : i32
    return %arg0, %c0_i32, %c0_i32_0 : i32, i32, i32
  }
  func.func @transform_1(%arg0: i32) -> (i32, i32, i32) {
    %c0_i32 = arith.constant 0 : i32
    %c0_i32_0 = arith.constant 0 : i32
    %c0_i32_1 = arith.constant 0 : i32
    return %arg0, %c0_i32, %c0_i32_0 : i32, i32, i32
  }
  func.func @transform_2(%arg0: i32) -> (i32, i32, i32) {
    %c0_i32 = arith.constant 0 : i32
    %c0_i32_0 = arith.constant 0 : i32
    %c0_i32_1 = arith.constant 0 : i32
    return %arg0, %c0_i32, %c0_i32_0 : i32, i32, i32
  }
  func.func @transform_3(%arg0: i32) -> (i32, i32, i32) {
    %c0_i32 = arith.constant 0 : i32
    %c0_i32_0 = arith.constant 0 : i32
    %c0_i32_1 = arith.constant 0 : i32
    return %arg0, %c0_i32, %c0_i32_0 : i32, i32, i32
  }
}

</mosaic_0001>

<sc_bundles>
// kernel: kernel.4.cloned.1.call-start
scs
__scs_entry_jumppad:
0x0: {  	(pc) =	sbr.rel $0x88, $3  }
0x1: {  	(tag) =	ssettag $0x0;
	lr =	simm.s32 $0x1  }
0x2: {  	[smem:$0x3F9D] =	sst lr;
	_ =	strace $0xD0000000  }
0x3: {  	_ = 	snop  }
0x4: {  	_ = 	snop  }
0x5: {  	_ = 	snop  }
0x6: {  	_ = 	snop  }
0x7: {  	_ = 	snop  }
__scs_overlays_trampoline_lowered:
0x8: {  	[smem:$0x3FAC] =	sst s0  }
0x9: {  	[smem:$0x3FAD] =	sst s1  }
0xa: {  	[smem:$0x3FAE] =	sst s2  }
0xb: {  	[smem:$0x3FAF] =	sst s3  }
0xc: {  	[smem:$0x3FB0] =	sst s4  }
0xd: {  	[smem:$0x3FB1] =	sst s5  }
0xe: {  	[smem:$0x3FB2] =	sst s6  }
0xf: {  	[smem:$0x3FB3] =	sst s7  }
0x10: {  	[smem:$0x3FB4] =	sst s8  }
0x11: {  	[smem:$0x3FB5] =	sst s9;
	s0 =	simm.s32 @!p0 $0x0  }
0x12: {  	s1 =	sld [smem:$0x3F9B];
	s0 =	simm.s32 @p0 $0x1  }
0x13: {  	[smem:$0x3FB6] =	sst s0;
	s0 =	simm.s32 @!p1 $0x0  }
0x14: {  	s2 =	sld [smem:$0x3F9A];
	s0 =	simm.s32 @p1 $0x1  }
0x15: {  	[smem:$0x3FB7] =	sst s0;
	s0 =	simm.s32 @!p2 $0x0  }
0x16: {  	s3 =	sld [smem:$0x3FDB];
	s0 =	simm.s32 @p2 $0x1  }
0x17: {  	s4 =	simm.s32 $0x1BF5;
	[smem:$0x3FB9] =	sst s0  }
0x18: {  	s0 =	sld [smem:$0x3F9C];
	_ =	swait.ge [sflag:s4], $0x0  }
0x19: {  	s7 =	sld [smem:$0x3F9D]  }
0x1a: {  	s8 =	sadd.s32 $0xFFFFE003, lr  }
0x1b: {  	s9 =	sadd.s32 $0xFFFFFEF7, lr;
	s5 =	simm.s32 $0xFFFFFFFF;
	p2 =	slt.u32 s8, $0xFFFFF086  }
0x1c: {  	p1 =	slt.u32 s9, $0xF7A;
	s5 =	simm.s32 @!p2 $0x0  }
0x1d: {  	s5 =	simm.s32 @p1 $0x1;
	p0 =	seq.s32 s7, s2  }
0x1e: {  	s7 =	smul.u32 @!p0 $0xF7A, s2;
	p2 =	seq.s32 @!p0 s5, $0x0  }
0x1f: {  	s9 =	smul.u32 $0xF7A, s1;
	s8 =	simm.s32 @!p0 $0x1BF5;
	p2 =	por !p2, p0  }
0x20: {  	[sflag:s8] =	ssyncset.s32 @!p0 $0xFFFFF086;
	s6 =	sadd.s32 @!p0 s3, s7;
	s7 =	simm.s32 @!p0 $0x108  }
0x21: {  	s3 =	sadd.s32 s3, s9;
	s6 =	sadd.s32 @!p0 $0x88, s6;
	s7 =	simm.s32 @p2 $0x1082  }
0x22: {  	[simem:s7], [sflag:s8] =	dma.local @!p0 [hbm:s6], $0xF7A  }
0x23: {  	s9 =	sor.u32 $0xD0000000, s2;
	s6 =	simm.s32 $0x108;
	_ =	swait.ge @!p0 [sflag:s8], $0x0  }
0x24: {  	s3 =	sadd.s32 $0x88, s3;
	s6 =	simm.s32 @!p1 $0x1082;
	[sflag:s4] =	ssyncset.s32 $0xFFFFF086  }
0x25: {  	[simem:s6], [sflag:s4] =	dma.local [hbm:s3], $0xF7A  }
0x26: {  	[smem:$0x3F9D] =	sst s1;
	(tag) =	ssettag s2;
	_ =	strace s9  }
0x27: {  	s1 =	sld [smem:$0x3FAD]  }
0x28: {  	s2 =	sld [smem:$0x3FAE]  }
0x29: {  	s4 =	sld [smem:$0x3FB0]  }
0x2a: {  	p0 =	seq.s32 s5, $0x0;
	s5 =	sld [smem:$0x3FB1]  }
0x2b: {  	s6 =	sld [smem:$0x3FB2]  }
0x2c: {  	s7 =	sld [smem:$0x3FB3]  }
0x2d: {  	s3 =	simm.s32 $0x108;
	s8 =	sld [smem:$0x3FB4]  }
0x2e: {  	s3 =	simm.s32 @!p0 $0x1082;
	s9 =	sld [smem:$0x3FB5]  }
0x2f: {  	lr =	sadd.s32 s0, s3;
	s0 =	sld [smem:$0x3FAC]  }
0x30: {  	s3 =	sld [smem:$0x3FAF]  }
0x31: {  	[smem:$0x3FB8] =	sst s10  }
0x32: {  	s10 =	sld [smem:$0x3FB6];
	_ =	sdelay $0x3  }
0x33: {  	p0 =	seq.s32 s10, $0x1;
	s10 =	sld [smem:$0x3FB8];
	_ =	sdelay $0x3  }
0x34: {  	[smem:$0x3FB8] =	sst s10  }
0x35: {  	s10 =	sld [smem:$0x3FB7];
	_ =	sdelay $0x3  }
0x36: {  	p1 =	seq.s32 s10, $0x1;
	s10 =	sld [smem:$0x3FB8];
	_ =	sdelay $0x3  }
0x37: {  	[smem:$0x3FB8] =	sst s10  }
0x38: {  	s10 =	sld [smem:$0x3FB9]  }
0x39: {  	_ = 	snop;
	(pc) =	sbr.ind lr, $3  }
0x3a: {  	_ = 	snop  }
0x3b: {  	_ = 	snop  }
0x3c: {  	p2 =	seq.s32 s10, $0x1;
	s10 =	sld [smem:$0x3FB8]  }
0x3d: {  	_ =	shalt  }
0x3e: {  	_ =	shalt  }
0x3f: {  	_ =	shalt  }
0x40: {  	_ =	shalt  }
0x41: {  	_ =	shalt  }
0x42: {  	_ =	shalt  }
0x43: {  	_ =	shalt  }
0x44: {  	_ =	shalt  }
0x45: {  	_ =	shalt  }
0x46: {  	_ =	shalt  }
0x47: {  	_ =	shalt  }
0x48: {  	_ =	shalt  }
0x49: {  	_ =	shalt  }
0x4a: {  	_ =	shalt  }
0x4b: {  	_ =	shalt  }
0x4c: {  	_ =	shalt  }
0x4d: {  	_ =	shalt  }
0x4e: {  	_ =	shalt  }
0x4f: {  	_ =	shalt  }
0x50: {  	_ =	shalt  }
0x51: {  	_ =	shalt  }
0x52: {  	_ =	shalt  }
0x53: {  	_ =	shalt  }
0x54: {  	_ =	shalt  }
0x55: {  	_ =	shalt  }
0x56: {  	_ =	shalt  }
0x57: {  	_ =	shalt  }
0x58: {  	_ =	shalt  }
0x59: {  	_ =	shalt  }
0x5a: {  	_ =	shalt  }
0x5b: {  	_ =	shalt  }
0x5c: {  	_ =	shalt  }
0x5d: {  	_ =	shalt  }
0x5e: {  	_ =	shalt  }
0x5f: {  	_ =	shalt  }
0x60: {  	_ =	shalt  }
0x61: {  	_ =	shalt  }
0x62: {  	_ =	shalt  }
0x63: {  	_ =	shalt  }
0x64: {  	_ =	shalt  }
0x65: {  	_ =	shalt  }
0x66: {  	_ =	shalt  }
0x67: {  	_ =	shalt  }
0x68: {  	_ =	shalt  }
0x69: {  	_ =	shalt  }
0x6a: {  	_ =	shalt  }
0x6b: {  	_ =	shalt  }
0x6c: {  	_ =	shalt  }
0x6d: {  	_ =	shalt  }
0x6e: {  	_ =	shalt  }
0x6f: {  	_ =	shalt  }
0x70: {  	_ =	shalt  }
0x71: {  	_ =	shalt  }
0x72: {  	_ =	shalt  }
0x73: {  	_ =	shalt  }
0x74: {  	_ =	shalt  }
0x75: {  	_ =	shalt  }
0x76: {  	_ =	shalt  }
0x77: {  	_ =	shalt  }
0x78: {  	_ =	shalt  }
0x79: {  	_ =	shalt  }
0x7a: {  	_ =	shalt  }
0x7b: {  	_ =	shalt  }
0x7c: {  	_ =	shalt  }
0x7d: {  	_ =	shalt  }
0x7e: {  	_ =	shalt  }
0x7f: {  	_ =	shalt  }
0x80: {  	_ =	shalt  }
0x81: {  	_ =	shalt  }
0x82: {  	_ =	shalt  }
0x83: {  	_ =	shalt  }
0x84: {  	_ =	shalt  }
0x85: {  	_ =	shalt  }
0x86: {  	_ =	shalt  }
0x87: {  	_ =	shalt  }
.Lfunc_end0:
.L_simem_size_0:
called_computation_lowered:
.L_overlay_start_0:
0x88: {  	s2 =	sld [smem:$0x3FD9]  }
0x89: {  	s3 =	sld [smem:$0x3FFE];
	_ =	sdelay $0x1  }
0x8a: {  	s1 =	srdreg.scid  }
0x8b: {  	s0 =	sand.u32 $0x1, s1  }
0x8c: {  	s14 =	sshll.u32 s0, $0xA;
	s2 =	sadd.s32 s3, s2  }
0x8d: {  	s2 =	sadd.s32 s2, s14  }
0x8e: {  	[smem:$0x3FC4] =	sst s2  }
0x8f: {  	_ = 	snop  }
0x90: {  	s2 =	sld [smem:$0x3FD0];
	_ =	sdelay $0x2  }
0x91: {  	s15 =	simm.s32 $0xA;
	s4 =	simm.s32 $0x10  }
0x92: {  	[smem:s4], [sflag:s15] =	dma.local [hbm:s2], $0x1  }
0x93: {  	_ =	swait.eq [sflag:s15], $0x1  }
0x94: {  	s16 =	sld [smem:$0x10]  }
0x95: {  	s17 =	sld [smem:$0x11];
	[sflag:s15] =	ssyncset.done $0x0  }
0x96: {  	s5 =	sld [smem:$0x12];
	[sflag:s15] =	ssyncadd.s32 $0xFFFFFFFF  }
0x97: {  	s18 =	sld [smem:$0x13];
	(tm) =	ssettm $0x1  }
0x98: {  	s6 =	sld [smem:$0x3FFB];
	_ =	sdelay $0x3  }
0x99: {  	_ =	strace s6  }
0x9a: {  	s6 =	sld [smem:$0x3FFC];
	_ =	sdelay $0x3  }
0x9b: {  	_ =	strace s6  }
0x9c: {  	s6 =	sld [smem:$0x3FFD];
	_ =	sdelay $0x3  }
0x9d: {  	_ =	strace s6  }
0x9e: {  	_ =	strace $0x8FFFFFFF  }
0x9f: {  	s19 =	sld [smem:$0x3FDB];
	_ =	sdelay $0x1  }
0xa0: {  	s7 =	simm.s32 $_scs_section_size  }
0xa1: {  	s8 =	simm.s32 $_size__tile_overlayer_lowered;
	s9 =	simm.s32 $_tile_overlayer_lowered  }
0xa2: {  	s22 =	simm.s32 $0x1BFF;
	s21 =	sshll.u32 s9, $0x1;
	s6 =	sadd.s32 s7, s19  }
0xa3: {  	s10 =	simm.s32 $0x0;
	s20 =	sshll.u32 s8, $0x1;
	s8 =	sadd.s32 s21, s6  }
0xa4: {  	[timem:s10], [sflag:s22] =	dma.local [hbm:s8], s20  }
0xa5: {  	_ =	swait.ge [sflag:s22], s20  }
0xa6: {  	s7 =	ssub.s32 $0x0, s20;
	[sflag:s22] =	ssyncset.done $0x0  }
0xa7: {  	[sflag:s22] =	ssyncadd.s32 s7;
	_ =	sdelay $0x1  }
0xa8: {  	s23 =	simm.s32 $0x1B8B  }
0xa9: {  	_ =	swait.ge [sflag:s23], $0x1  }
0xaa: {  	[sflag:s23] =	ssyncset.done $0x0  }
0xab: {  	s25 =	simm.s32 $0x1B8E;
	s24 =	sld [smem:$0x3FFE];
	[sflag:s23] =	ssyncadd.s32 $0xFFFFFFFF  }
0xac: {  	s26 =	simm.s32 $execute0_lowered;
	[smem:$0x3FD2] =	sst s25  }
0xad: {  	s8 =	sshll.u32 s26, $0x1;
	_ =	strace $0x80000046;
	[dreg:$0x1] =	wrdreg $0xFFFFFFFF  }
0xae: {  	s28 =	simm.s32 $_size_execute0_lowered;
	s6 =	sadd.s32 s6, s8;
	[dreg:$0x0] =	wrdreg $0x0  }
0xaf: {  	s8 =	sshll.u32 s28, $0x1;
	[dreg:$0x2] =	wrdreg s6  }
0xb0: {  	[dreg:$0x3] =	wrdreg s8  }
0xb1: {  	[dreg:$0x4] =	wrdreg $0xC0  }
0xb2: {  	_ =	task [dreg:s10], $0x5FFFF  }
0xb3: {  	[dreg:$0x1] =	wrdreg $0xFFFFFFFF  }
0xb4: {  	[dreg:$0x0] =	wrdreg $0x60  }
0xb5: {  	[dreg:$0x2] =	wrdreg s24  }
0xb6: {  	[dreg:$0x3] =	wrdreg s16  }
0xb7: {  	[dreg:$0x4] =	wrdreg s17  }
0xb8: {  	[dreg:$0x5] =	wrdreg s5  }
0xb9: {  	[dreg:$0x6] =	wrdreg s18  }
0xba: {  	[dreg:$0x7] =	wrdreg $0x9  }
0xbb: {  	_ =	task.clear_ibuf [dreg:s10], $0x8FFFF;
	_ =	strace $0x90000046  }
0xbc: {  	s29 =	simm.s32 $0x9;
	_ =	strace $0x80000048  }
0xbd: {  	_ =	swait.ge [sflag:s29], $0x1  }
0xbe: {  	[sflag:s29] =	ssyncadd.s32 $0xFFFFFFFF  }
0xbf: {  	_ =	strace $0x90000048  }
0xc0: {  	_ =	sfence  }
0xc1: {  	s30 =	sld [smem:$0x0];
	_ =	sdelay $0x2  }
0xc2: {  	s31 =	sshll.u32 s1, $0xD;
	s1 =	sshrl.u32 s1, $0x2  }
0xc3: {  	s3 =	sand.u32 $0x4000, s31;
	s1 =	sadd.s32 s1, s30  }
0xc4: {  	s0 =	sor.u32 s3, s0;
	s1 =	sshll.u32 s1, $0x11  }
0xc5: {  	s0 =	sor.u32 s1, s0  }
0xc6: {  	s0 =	sadd.s32 $0x8F2B, s0  }
0xc7: {  	[sflag:s0] =	ssyncadd.remote.s32 $0x1  }
0xc8: {  	_ =	sfence.sel $0xFFFF  }
0xc9: {  	[dreg:$0x0] =	wrdreg $0xFFFFFFFF;
	(pc) =	sbr.abs _section_cstart, $3  }
0xca: {  	[dreg:$0x1] =	wrdreg $0xFFFFFFFF  }
0xcb: {  	_ =	task.clear_ibuf [dreg:s10], $0x2FFFF;
	_ =	strace $0x9FFFFFFF  }
0xcc: {  	(tm) =	ssettm $0x7FFFFFFF  }
0xcd: {  	_ =	shalt  }
tec
execute0_lowered:
.L_overlay_start_1:
0x0: {  	(tag) =	ssettag $0x1  }
0x1: {  	s3 =	rddreg [dreg:$0x0]  }
0x2: {  	s7 =	rddreg [dreg:$0x1]  }
0x3: {  	s8 =	rddreg [dreg:$0x2]  }
0x4: {  	s9 =	rddreg [dreg:$0x3]  }
0x5: {  	s0 =	srdreg.scid;
	s10 =	rddreg [dreg:$0x4];
	s2 =	simm.s32 $0x0  }
0x6: {  	s17 =	simm.s32 $0x1;
	s18 =	simm.s32 $0x16900;
	s19 =	simm.s32 $0x16980  }
0x7: {  	s20 =	simm.s32 $0x16B00;
	s21 =	simm.s32 $0x16C80;
	s4 =	sand.u32 $0x1, s0  }
0x8: {  	s22 =	simm.s32 $0x16E00;
	s0 =	stileid.u32;
	s1 =	sshll.u32 s4, $0x4  }
0x9: {  	s23 =	simm.s32 $0x17300;
	s24 =	simm.s32 $0x0;
	s1 =	sor.u32 s0, s1  }
0xa: {  	[smem:$0x7FF] =	sst s2;
	s5 =	sshll.u32 s0, $0x7;
	s6 =	sshrl.u32 s1, $0x3  }
0xb: {  	s4 =	ssub.s32 $0x2, s4;
	s12 =	sand.u32 $0x380, s5;
	s11 =	smul.u32 $0xAB000, s6  }
0xc: {  	s15 =	sshrl.u32 s4, $0x1;
	s1 =	rddreg [dreg:$0x5];
	s13 =	smul.u32 $0x7400, s6  }
0xd: {  	_ =	strace $0x80000047;
	s15 =	ssub.s32 s4, s15;
	s16 =	smul.u32 $0xC00, s6  }
0xe: {  	s26 =	sshll.u32 s6, $0xD;
	s14 =	sshll.u32 s6, $0xA;
	s28 =	smul.u32 $0x2800, s6  }
0xf: {  	s30 =	smul.u32 $0x38400, s6;
	s14 =	sor.u32 s12, s14;
	s5 =	sor.u32 s12, s11  }
0x10: {  	s11 =	sor.u32 s12, s26;
	s13 =	sor.u32 s12, s13;
	s14 =	sshrl.u32 s14, $0x3  }
0x11: {  	s29 =	sor.u32 s12, s16;
	s16 =	simm.s32 $0x16480;
	s5 =	sshrl.u32 s5, $0x3  }
0x12: {  	s11 =	sshrl.u32 s11, $0x3;
	s13 =	sshrl.u32 s13, $0x3;
	s14 =	sadd.s32 s14, s3  }
0x13: {  	s5 =	sadd.s32 s5, s3;
	s11 =	sadd.s32 s11, s3;
	s13 =	sadd.s32 s13, s3  }
0x14: {  	s6 =	sadd.s32 $0x5B400, s14;
	s14 =	simm.s32 $0x16500;
	s3 =	sadd.s32 $0x1200, s5  }
0x15: {  	s4 =	sadd.s32 $0x56A00, s11;
	s5 =	sadd.s32 $0x57A00, s13;
	s13 =	sshrl.u32 s29, $0x3  }
0x16: {  	v0 =	vimm.s32 $0x0;
	v1 =	vimm.s32 $0x1;
	v2 =	vlaneseq.u32;
	s11 =	sor.u32 s12, s28;
	s12 =	sor.u32 s12, s30;
	s7 =	sadd.s32 s7, s13  }
0x17: {  	v3 =	vimm.s32 $0x38;
	vm0 =	vcmask $0x3F24;
	v5 =	vimm.f32 $-3.000000000e+00;
	s11 =	sshrl.u32 s11, $0x3;
	s8 =	sadd.s32 s8, s13;
	s31 =	sshrl.u32 s12, $0x3  }
0x18: {  	v10 =	vimm.f32 $-1.000000000e+00;
	v4 =	vor.u32 $0x30, v2;
	v6 =	vor.u32 $0x10, v2;
	s12 =	simm.s32 $0x80;
	s13 =	simm.s32 $0x400;
	s9 =	sadd.s32 s9, s11  }
0x19: {  	v7 =	vor.u32 $0x20, v2;
	v8 =	vor.u32 $0x40, v2;
	v9 =	vor.u32 $0x50, v2;
	s10 =	sadd.s32 s10, s31;
	s11 =	smax.u32 s15, $0x1;
	s15 =	simm.s32 $0x15600  }
.LBB2_1:
0x1a: {  	[tilespmem:s2], [sflag:$0x1] =	stream.strided.gather [hbm4b:s3+s12], $0x15600, s13, s12, $0x38;
	[tilespmem:$0x1E380] =	vst v63  }
0x1b: {  	_ = 	snop  }
0x1c: {  	[tilespmem:s14], [sflag:$0x1] =	stream.strided.gather [hbm4b:s4+s12], $0x400, s13, s12, $0x38;
	[tilespmem:$0x1E380] =	vst v63  }
0x1d: {  	_ = 	snop  }
0x1e: {  	[tilespmem:s15], [sflag:$0x1] =	stream.strided.gather [hbm4b:s5+s12], $0xE80, s13, s12, $0x38;
	[tilespmem:$0x1E380] =	vst v63  }
0x1f: {  	_ = 	snop  }
0x20: {  	[tilespmem:s16], [sflag:$0x1] =	stream.linear.gather [hbm4b:s6+s2], $0x80, $0x38;
	[tilespmem:$0x1E380] =	vst v63  }
0x21: {  	_ =	swait.ge [sflag:s17], $0x15600  }
0x22: {  	[sflag:s17] =	ssyncset.done $0x0  }
0x23: {  	[sflag:s17] =	ssyncadd.s32 $0xFFFEAA00  }
0x24: {  	_ =	swait.ge [sflag:s17], $0x400  }
0x25: {  	[sflag:s17] =	ssyncset.done $0x0  }
0x26: {  	[sflag:s17] =	ssyncadd.s32 $0xFFFFFC00  }
0x27: {  	_ =	swait.ge [sflag:s17], $0xE80  }
0x28: {  	[sflag:s17] =	ssyncset.done $0x0  }
0x29: {  	[sflag:s17] =	ssyncadd.s32 $0xFFFFF180  }
0x2a: {  	_ =	swait.ge [sflag:s17], $0x80  }
0x2b: {  	[sflag:s17] =	ssyncset.done $0x0  }
0x2c: {  	s25 =	simm.s32 $0x16510;
	[sflag:s17] =	ssyncadd.s32 $0xFFFFFF80  }
0x2d: {  	v11 =	vld [tilespmem:s25+$0x0]  }
0x2e: {  	v13 =	vld [tilespmem:s25+$0xFFFFFFF0];
	_ =	sdelay $0x3  }
0x2f: {  	s26 =	simm.s32 $0x16530;
	v12 =	vld [tilespmem:$0x16480];
	(xrf0) =	vmax.scan.msk.f32 $0xffff, v11  }
0x30: {  	v16 =	vld [tilespmem:s26+$0x0];
	(xrf0) =	vmax.scan.msk.f32 $0xffff, v13  }
0x31: {  	v14 =	vmov s2;
	v15 =	vld [tilespmem:s26+$0xFFFFFFF0]  }
0x32: {  	s28 =	simm.s32 $0x1;
	v13 =	vand.u32 $0xFFFFFFFE, v14  }
0x33: {  	v14 =	vmov s28;
	v13 =	vbroadcast v13, $0x0  }
0x34: {  	v11 =	vperm.xlane v12, v0;
	v12 =	vperm.xlane v12, v1  }
0x35: {  	s25 =	simm.s32 $0x2;
	s26 =	simm.s32 $0x4;
	s28 =	simm.s32 $0x16550;
	(xrf0) =	vmax.scan.msk.f32 $0xffff, v16;
	v16, _, _ =	vpop (xrf0)  }
.LBB2_2:
0x36: {  	v17 =	vld [tilespmem:s28+$0x0];
	p0 =	slt.u32 s26, $0x36;
	(xrf0) =	vmax.scan.msk.f32 $0xffff, v15;
	v16 =	vbroadcast v16, $0xF;
	v18, _, _ =	vpop (xrf0);
	s29 =	smov.u32 s26;
	s26 =	sadd.s32 $0x2, s26  }
.Ltmp0:
0x37: {  	v19 =	vmov s25;
	v15 =	vld [tilespmem:s28+$0xFFFFFFF0];
	v18 =	vbroadcast v18, $0xF;
	(pc) =	sbr.rel @p0 .LBB2_2-.Ltmp0, $3  }
0x38: {  	s30 =	sadd.s32 $0x1, s25;
	v19 =	vand.u32 $0xFFFFFFFE, v19;
	s25 =	smov.u32 s29;
	[tilespmem:v14+s18+$0x0] =	vst.idx.msk $0x1, v16  }
0x39: {  	v14 =	vmov s30;
	[tilespmem:v13+s18+$0x0] =	vst.idx.msk $0x1, v18;
	v13 =	vbroadcast v19, $0x0;
	_ =	sdelay $0x1  }
0x3a: {  	s28 =	sadd.s32 $0x20, s28;
	(xrf0) =	vmax.scan.msk.f32 $0xffff, v17;
	v16, _, _ =	vpop (xrf0)  }
0x3b: {  	(xrf0) =	vmax.scan.msk.f32 $0xffff, v15  }
0x3c: {  	v15 =	vmov s25  }
0x3d: {  	s31 =	sadd.s32 $0x1, s25;
	v16 =	vbroadcast v16, $0xF;
	v15 =	vand.u32 $0xFFFFFFFE, v15  }
0x3e: {  	v17 =	vmov s31;
	v15 =	vbroadcast v15, $0x0  }
0x3f: {  	v18, _, _ =	vpop (xrf0)  }
0x40: {  	v18 =	vbroadcast v18, $0xF;
	v19, _, _ =	vpop (xrf0)  }
0x41: {  	[tilespmem:v14+s18+$0x0] =	vst.idx.msk $0x1, v16;
	v14 =	vbroadcast v19, $0xF;
	v16, _, _ =	vpop (xrf0)  }
0x42: {  	[tilespmem:v13+s18+$0x0] =	vst.idx.msk $0x1, v18;
	v13 =	vbroadcast v16, $0xF  }
0x43: {  	[tilespmem:v17+s18+$0x0] =	vst.idx.msk $0x1, v14  }
0x44: {  	[tilespmem:v15+s18+$0x0] =	vst.idx.msk $0x1, v13  }
0x45: {  	v13 =	vld [tilespmem:$0x16880];
	_ =	sdelay $0x4  }
0x46: {  	(xrf0) =	vmax.scan.msk.f32 $0xffff, v13;
	_ =	sdelay $0x5  }
0x47: {  	v13, _, _ =	vpop (xrf0)  }
0x48: {  	v13 =	vbroadcast v13, $0xF;
	_ =	sdelay $0x1  }
0x49: {  	[tilespmem:v3+s18+$0x0] =	vst.idx.msk $0x1, v13  }
0x4a: {  	[tilespmem:v4+s18+$0x0] =	vst.idx.msk vm0, v5  }
0x4b: {  	v13 =	vld [tilespmem:$0x16900]  }
0x4c: {  	v14 =	vld [tilespmem:$0x16910]  }
0x4d: {  	v15 =	vld [tilespmem:$0x16920]  }
0x4e: {  	v16 =	vld [tilespmem:$0x16930];
	_ =	sdelay $0x3  }
0x4f: {  	s25 =	simm.s32 $0x0;
	[tilespmem:$0x16DA0] =	vst v0  }
.LBB2_4:
0x50: {  	v17 =	vmax.f32 v13, v14;
	v18 =	vmax.f32 v15, v16  }
0x51: {  	v17 =	vmax.f32 v17, v18  }
0x52: {  	(xrf0) =	vmax.scan.msk.f32 $0xffff, v17;
	_ =	sdelay $0x5  }
0x53: {  	v17, _, _ =	vpop (xrf0)  }
0x54: {  	v17 =	vbroadcast v17, $0xF;
	_ =	sdelay $0x1  }
0x55: {  	vm1 =	veq.f32 v13, v17  }
0x56: {  	v18 =	vmctz.xlane vm1  }
0x57: {  	vm1 =	veq.f32 v14, v17  }
0x58: {  	v19 =	vmctz.xlane vm1;
	vm2 =	vlt.s32 v18, $0x40000000  }
0x59: {  	vm1 =	vgt.s32 v18, $0xF;
	v18 =	vnsel vm2, $0x40000000, v18  }
0x5a: {  	v20 =	vadd.s32 $0x10, v19;
	v18 =	vsel vm1, $0x40000000, v18;
	vm1 =	veq.f32 v15, v17  }
0x5b: {  	vm2 =	vlt.s32 v18, v20;
	v21 =	vmctz.xlane vm1  }
0x5c: {  	vm1 =	vgt.s32 v19, $0xF;
	v19 =	vsel vm2, v18, v20;
	vm2 =	veq.f32 v16, v17  }
0x5d: {  	vm3 =	vgt.s32 v21, $0xF;
	v41 =	vadd.s32 $0x20, v21;
	v42 =	vmctz.xlane vm2  }
0x5e: {  	v18 =	vsel vm1, v18, v19;
	v19 =	vsel vm3, $0x40000000, v41  }
0x5f: {  	vm1 =	vlt.s32 v18, v19;
	vm2 =	vgt.s32 v42, $0xF;
	v43 =	vadd.s32 $0x30, v42  }
0x60: {  	v18 =	vsel vm1, v18, v19;
	v19 =	vsel vm2, $0x40000000, v43  }
0x61: {  	vm1 =	vlt.s32 v18, v19  }
0x62: {  	v18 =	vsel vm1, v18, v19  }
0x63: {  	v19 =	vshll.u32 v18, $0x4  }
0x64: {  	v44 =	vor.u32 v2, v19;
	_ =	sdelay $0x4  }
0x65: {  	v20 =	vld.idx.msk [tilespmem:v44+s14+$0x0], $0xffff;
	_ =	sdelay $0x4  }
0x66: {  	vm1 =	veq.f32 v20, v17  }
0x67: {  	v45 =	vmctz.xlane vm1;
	_ =	sdelay $0x1  }
0x68: {  	v19 =	vadd.s32 v45, v19  }
0x69: {  	v22 =	vmul.u32 $0x60, v19;
	_ =	sdelay $0x1  }
0x6a: {  	v23 =	vor.u32 v2, v22;
	_ =	sdelay $0x1  }
0x6b: {  	v24 =	vor.u32 v6, v22  }
0x6c: {  	v26 =	vadd.s32 v4, v22;
	_ =	sdelay $0x1  }
0x6d: {  	v25 =	vadd.s32 v7, v22;
	v23 =	vld.idx.msk [tilespmem:v23+s2+$0x0], $0xffff  }
0x6e: {  	v28 =	vadd.s32 v8, v22  }
0x6f: {  	v24 =	vld.idx.msk [tilespmem:v24+s2+$0x0], $0xffff  }
0x70: {  	v26 =	vld.idx.msk [tilespmem:v26+s2+$0x0], $0xffff;
	_ =	sdelay $0x1  }
0x71: {  	v25 =	vld.idx.msk [tilespmem:v25+s2+$0x0], $0xffff;
	vm1 =	veq.f32 v23, v17  }
0x72: {  	v30 =	vadd.s32 v9, v22;
	v28 =	vld.idx.msk [tilespmem:v28+s2+$0x0], $0xffff;
	v27 =	vmctz.xlane vm1;
	_ =	sdelay $0x1  }
0x73: {  	vm3 =	veq.f32 v26, v17;
	vm1 =	veq.f32 v24, v17;
	vm2 =	vlt.s32 v27, $0x40000000  }
0x74: {  	v29 =	vmctz.xlane vm1;
	vm1 =	vgt.s32 v27, $0xF;
	v27 =	vnsel vm2, $0x40000000, v27  }
0x75: {  	v49 =	vmctz.xlane vm3;
	v27 =	vsel vm1, $0x40000000, v27;
	vm1 =	veq.f32 v25, v17  }
0x76: {  	v30 =	vld.idx.msk [tilespmem:v30+s2+$0x0], $0xffff;
	vm3 =	veq.f32 v28, v17;
	v31 =	vadd.s32 $0x10, v29;
	v32 =	vmctz.xlane vm1  }
0x77: {  	v51 =	vmctz.xlane vm3;
	vm2 =	vlt.s32 v27, v31;
	vm1 =	vgt.s32 v29, $0xF  }
0x78: {  	v46 =	vsel vm2, v27, v31;
	vm2 =	vgt.s32 v32, $0xF;
	v47 =	vadd.s32 $0x20, v32  }
0x79: {  	vm3 =	vgt.s32 v51, $0xF;
	v27 =	vsel vm1, v27, v46;
	v48 =	vsel vm2, $0x40000000, v47  }
0x7a: {  	v31 =	vadd.s32 $0x30, v49;
	vm2 =	vgt.s32 v49, $0xF;
	vm1 =	vlt.s32 v27, v48  }
0x7b: {  	v50 =	vsel vm2, $0x40000000, v31;
	vm2 =	veq.f32 v30, v17;
	v27 =	vsel vm1, v27, v48  }
0x7c: {  	v31 =	vadd.s32 $0x40, v51;
	v52 =	vmctz.xlane vm2;
	vm1 =	vlt.s32 v27, v50  }
0x7d: {  	v53 =	vsel vm3, $0x40000000, v31;
	v27 =	vsel vm1, v27, v50  }
0x7e: {  	vm2 =	vgt.s32 v52, $0xF;
	v54 =	vadd.s32 $0x50, v52;
	vm1 =	vlt.s32 v27, v53  }
0x7f: {  	v55 =	vsel vm2, $0x40000000, v54;
	v27 =	vsel vm1, v27, v53  }
0x80: {  	vm1 =	vlt.s32 v27, v55  }
0x81: {  	v27 =	vsel vm1, v27, v55  }
0x82: {  	v23 =	vmax.f32 v23, $-1.000000000e+00;
	vm1 =	veq.s32 v27, v2;
	vm2 =	veq.s32 v27, v6  }
0x83: {  	v23 =	vsel vm1, $0xBF800000, v23;
	v24 =	vsel vm2, $0xBF800000, v24;
	vm1 =	veq.s32 v27, v7  }
0x84: {  	v23 =	vmax.f32 v23, v24;
	v56 =	vsel vm1, $0xBF800000, v25;
	vm1 =	veq.s32 v27, v4  }
0x85: {  	v23 =	vmax.f32 v23, v56;
	v57 =	vsel vm1, $0xBF800000, v26;
	vm1 =	veq.s32 v27, v8  }
0x86: {  	v23 =	vmax.f32 v23, v57;
	v58 =	vsel vm1, $0xBF800000, v28;
	vm1 =	veq.s32 v27, v9  }
0x87: {  	v23 =	vmax.f32 v23, v58;
	v59 =	vsel vm1, $0xBF800000, v30  }
0x88: {  	v23 =	vmax.f32 v23, v59  }
0x89: {  	(xrf0) =	vmax.scan.msk.f32 $0xffff, v23;
	_ =	sdelay $0x5  }
0x8a: {  	v23, _, _ =	vpop (xrf0)  }
0x8b: {  	v23 =	vbroadcast v23, $0xF  }
0x8c: {  	vm1 =	veq.s32 v45, v2  }
0x8d: {  	v20 =	vsel vm1, v23, v20  }
0x8e: {  	(xrf0) =	vmax.scan.msk.f32 $0xffff, v20;
	_ =	sdelay $0x2  }
0x8f: {  	v60 =	vmov s25;
	_ =	sdelay $0x2  }
0x90: {  	v63 =	vshra.s32 v18, $0x4;
	v18 =	vand.u32 $0xF, v18;
	v61 =	vadd.s32 v22, v27;
	v62, _, _ =	vpop (xrf0)  }
0x91: {  	p0 =	sne.s32 s25, $0x12B;
	vm2 =	veq.s32 v18, v2;
	vm1 =	veq.s32 v63, $0x0;
	v22 =	vbroadcast v62, $0xF  }
.Ltmp1:
0x92: {  	[tilespmem:v60+s19+$0x0] =	vst.idx.msk $0x1, v17;
	vm1 =	vmand vm1, vm2;
	(pc) =	sbr.rel @p0 .LBB2_4-.Ltmp1, $4  }
0x93: {  	[tilespmem:v60+s20+$0x0] =	vst.idx.msk $0x1, v27;
	v13 =	vsel vm1, v22, v13;
	vm1 =	veq.s32 v63, $0x1  }
0x94: {  	vm4 =	veq.s32 v63, $0x3;
	vm3 =	veq.s32 v63, $0x2;
	[tilespmem:v60+s21+$0x0] =	vst.idx.msk $0x1, v19;
	vm1 =	vmand vm1, vm2  }
0x95: {  	[tilespmem:v61+s2+$0x0] =	vst.idx.msk $0x1, v10;
	v14 =	vsel vm1, v22, v14;
	vm1 =	vmand vm3, vm2;
	vm2 =	vmand vm4, vm2  }
0x96: {  	s25 =	sadd.s32 $0x1, s25;
	[tilespmem:v19+s14+$0x0] =	vst.idx.msk $0x1, v23;
	v15 =	vsel vm1, v22, v15;
	v16 =	vsel vm2, v22, v16  }
0x97: {  	s25 =	simm.s32 $0x16C90  }
0x98: {  	v13 =	vld [tilespmem:s25+$0x0];
	_ =	sdelay $0x4  }
0x99: {  	v13 =	vshll.u32 v13, $0x2  }
0x9a: {  	v14 =	vor.u32 $0x2, v13  }
0x9b: {  	v16 =	vld [tilespmem:s25+$0xFFFFFFF0];
	v15 =	vor.u32 $0x3, v13;
	_ =	sdelay $0x1  }
0x9c: {  	s26 =	simm.s32 $0x16CB0;
	v17 =	vor.u32 $0x1, v13  }
0x9d: {  	v19 =	vld [tilespmem:s26+$0x0]  }
0x9e: {  	v14 =	vld.idx.msk [tilespmem:v14+s15+$0x0], $0xffff  }
0x9f: {  	v21 =	vshll.u32 v16, $0x2;
	v15 =	vld.idx.msk [tilespmem:v15+s15+$0x0], $0xffff  }
0xa0: {  	v20 =	vor.u32 $0x2, v21;
	v13 =	vld.idx.msk [tilespmem:v13+s15+$0x0], $0xffff  }
0xa1: {  	s25 =	simm.s32 $0x10;
	v22 =	vor.u32 $0x3, v21;
	v23 =	vld.idx.msk [tilespmem:v17+s15+$0x0], $0xffff  }
0xa2: {  	v16 =	vor.u32 s25, v2;
	v19 =	vshll.u32 v19, $0x2  }
0xa3: {  	v27 =	vld [tilespmem:s26+$0xFFFFFFF0];
	v25 =	vor.u32 $0x1, v21;
	vm1 =	vlt.u32 v16, $0x12C;
	v14 =	vmul.f32 $5.000000000e-01, v14  }
0xa4: {  	v28 =	vshll.u32 v16, $0x2;
	v26 =	vor.u32 $0x2, v19;
	v29 =	vmul.f32 $5.000000000e-01, v15  }
0xa5: {  	s31 =	simm.s32 $0x0;
	v24 =	vor.u32 $0x3, v19;
	v18 =	vor.u32 $0x1, v28;
	v20 =	vld.idx.msk [tilespmem:v20+s15+$0x0], $0xffff;
	v30 =	vsub.f32 v13, v14  }
0xa6: {  	v16 =	vor.u32 $0x2, v28;
	v17 =	vor.u32 s31, v2;
	v22 =	vld.idx.msk [tilespmem:v22+s15+$0x0], $0xffff;
	v31 =	vsub.f32 v23, v29  }
0xa7: {  	v21 =	vld.idx.msk [tilespmem:v21+s15+$0x0], $0xffff;
	v15 =	vor.u32 $0x3, v28;
	v32 =	vadd.f32 v14, v13;
	v30 =	vmul.f32 v30, v11  }
0xa8: {  	v14 =	vld.idx.msk [tilespmem:v25+s15+$0x0], $0xffff;
	v13 =	vshll.u32 v27, $0x2;
	v29 =	vadd.f32 v29, v23;
	v27 =	vmul.f32 v31, v12  }
0xa9: {  	s28 =	simm.s32 $0x16CD0;
	s26 =	simm.s32 $0x2;
	v25 =	vor.u32 $0x1, v19;
	v23 =	vor.u32 $0x2, v13;
	[tilespmem:v28+s22+$0x0] =	vst.idx.msk vm1, v30;
	v28 =	vmul.f32 v32, v11  }
.LBB2_6:
0xaa: {  	v30 =	vld [tilespmem:s28+$0x0];
	v31 =	vor.u32 $0x1, v13;
	v32 =	vor.u32 $0x3, v13;
	[tilespmem:v18+s22+$0x0] =	vst.idx.msk vm1, v27;
	v18 =	vmul.f32 v29, v12  }
0xab: {  	v27 =	vshll.u32 v17, $0x2;
	v20 =	vmul.f32 $5.000000000e-01, v20;
	v22 =	vmul.f32 $5.000000000e-01, v22;
	v26 =	vld.idx.msk [tilespmem:v26+s15+$0x0], $0xffff;
	[tilespmem:v16+s22+$0x0] =	vst.idx.msk vm1, v28  }
0xac: {  	vm2 =	vlt.u32 v17, $0x12C;
	v28 =	vor.u32 $0x2, v27;
	v16 =	vld.idx.msk [tilespmem:v24+s15+$0x0], $0xffff;
	v24 =	vor.u32 $0x1, v27;
	[tilespmem:v15+s22+$0x0] =	vst.idx.msk vm1, v18  }
0xad: {  	v33 =	vor.u32 $0x3, v27;
	v15 =	vsub.f32 v21, v20;
	v17 =	vsub.f32 v14, v22;
	v29 =	vld.idx.msk [tilespmem:v19+s15+$0x0], $0xffff  }
0xae: {  	v18 =	vadd.f32 v20, v21;
	v14 =	vadd.f32 v22, v14;
	v25 =	vld.idx.msk [tilespmem:v25+s15+$0x0], $0xffff  }
0xaf: {  	s25 =	sadd.s32 $0x20, s25;
	v15 =	vmul.f32 v15, v11;
	v35 =	vmul.f32 v17, v12;
	v34 =	vld [tilespmem:s28+$0xFFFFFFF0]  }
0xb0: {  	s29 =	sadd.s32 $0xFFFFFFF0, s25;
	v17 =	vor.u32 s25, v2;
	v36 =	vmul.f32 v14, v12;
	v20 =	vld.idx.msk [tilespmem:v23+s15+$0x0], $0xffff;
	v23 =	vmul.f32 v18, v11  }
0xb1: {  	s26 =	sadd.s32 $0x2, s26;
	vm1 =	vlt.u32 v17, $0x12C;
	v37 =	vmul.f32 $5.000000000e-01, v26;
	v22 =	vld.idx.msk [tilespmem:v32+s15+$0x0], $0xffff;
	v32 =	vshll.u32 v17, $0x2  }
0xb2: {  	p0 =	slt.u32 s26, $0x10;
	v17 =	vor.u32 s29, v2;
	v14 =	vld.idx.msk [tilespmem:v31+s15+$0x0], $0xffff;
	v31 =	vmul.f32 $5.000000000e-01, v16;
	v18 =	vor.u32 $0x1, v32;
	[tilespmem:v27+s22+$0x0] =	vst.idx.msk vm2, v15  }
.Ltmp2:
0xb3: {  	v19 =	vshll.u32 v30, $0x2;
	v16 =	vor.u32 $0x2, v32;
	v21 =	vld.idx.msk [tilespmem:v13+s15+$0x0], $0xffff;
	v13 =	vsub.f32 v29, v37;
	[tilespmem:v24+s22+$0x0] =	vst.idx.msk vm2, v35;
	(pc) =	sbr.rel @p0 .LBB2_6-.Ltmp2, $4  }
0xb4: {  	v26 =	vor.u32 $0x2, v19;
	v15 =	vor.u32 $0x3, v32;
	v27 =	vsub.f32 v25, v31;
	[tilespmem:v28+s22+$0x0] =	vst.idx.msk vm2, v23  }
0xb5: {  	v30 =	vadd.f32 v37, v29;
	v24 =	vor.u32 $0x3, v19;
	v28 =	vmul.f32 v13, v11;
	[tilespmem:v33+s22+$0x0] =	vst.idx.msk vm2, v36  }
0xb6: {  	v29 =	vadd.f32 v31, v25;
	v13 =	vshll.u32 v34, $0x2;
	v27 =	vmul.f32 v27, v12  }
0xb7: {  	s28 =	sadd.s32 $0x20, s28;
	v25 =	vor.u32 $0x1, v19;
	v23 =	vor.u32 $0x2, v13;
	[tilespmem:v32+s22+$0x0] =	vst.idx.msk vm1, v28;
	v28 =	vmul.f32 v30, v11  }
0xb8: {  	_ =	sdelay $0x3  }
0xb9: {  	v30 =	vor.u32 $0x1, v13;
	v31 =	vor.u32 $0x3, v13;
	v26 =	vld.idx.msk [tilespmem:v26+s15+$0x0], $0xffff  }
0xba: {  	v20 =	vmul.f32 $5.000000000e-01, v20;
	v22 =	vmul.f32 $5.000000000e-01, v22;
	v32 =	vshll.u32 v17, $0x2;
	v24 =	vld.idx.msk [tilespmem:v24+s15+$0x0], $0xffff  }
0xbb: {  	v29 =	vmul.f32 v29, v12;
	vm2 =	vlt.u32 v17, $0x12C;
	v19 =	vld.idx.msk [tilespmem:v19+s15+$0x0], $0xffff;
	s25 =	sadd.s32 $0x20, s25;
	[tilespmem:v18+s22+$0x0] =	vst.idx.msk vm1, v27;
	v17 =	vor.u32 $0x1, v32  }
0xbc: {  	v18 =	vld.idx.msk [tilespmem:v23+s15+$0x0], $0xffff;
	v23 =	vor.u32 s25, v2;
	v33 =	vsub.f32 v21, v20;
	v34 =	vsub.f32 v14, v22  }
0xbd: {  	[tilespmem:v16+s22+$0x0] =	vst.idx.msk vm1, v28;
	v20 =	vadd.f32 v20, v21;
	v21 =	vor.u32 $0x2, v32;
	v14 =	vadd.f32 v22, v14  }
0xbe: {  	v25 =	vld.idx.msk [tilespmem:v25+s15+$0x0], $0xffff;
	s25 =	sadd.s32 $0xFFFFFFF0, s25;
	v22 =	vor.u32 $0x3, v32;
	vm3 =	vlt.u32 v23, $0x12C;
	[tilespmem:v15+s22+$0x0] =	vst.idx.msk vm1, v29;
	v15 =	vshll.u32 v23, $0x2  }
0xbf: {  	v23 =	vor.u32 s25, v2;
	v61 =	vor.u32 $0x1, v15;
	v33 =	vmul.f32 v33, v11  }
0xc0: {  	v62 =	vor.u32 $0x2, v15;
	v34 =	vmul.f32 v34, v12;
	v26 =	vmul.f32 $5.000000000e-01, v26;
	v16 =	vld.idx.msk [tilespmem:v31+s15+$0x0], $0xffff  }
0xc1: {  	v13 =	vld.idx.msk [tilespmem:v13+s15+$0x0], $0xffff;
	vm1 =	vlt.u32 v23, $0x12C;
	v20 =	vmul.f32 v20, v11;
	v24 =	vmul.f32 $5.000000000e-01, v24  }
0xc2: {  	v14 =	vmul.f32 v14, v12;
	v60 =	vld.idx.msk [tilespmem:v30+s15+$0x0], $0xffff;
	[tilespmem:v32+s22+$0x0] =	vst.idx.msk vm2, v33;
	v27 =	vsub.f32 v19, v26  }
0xc3: {  	v18 =	vmul.f32 $5.000000000e-01, v18;
	v63 =	vsub.f32 v25, v24;
	[tilespmem:v17+s22+$0x0] =	vst.idx.msk vm2, v34;
	v17 =	vor.u32 $0x3, v15  }
0xc4: {  	v19 =	vadd.f32 v26, v19;
	[tilespmem:v21+s22+$0x0] =	vst.idx.msk vm2, v20;
	v21 =	vshll.u32 v23, $0x2;
	v27 =	vmul.f32 v27, v11  }
0xc5: {  	v20 =	vmul.f32 v63, v12;
	[tilespmem:v22+s22+$0x0] =	vst.idx.msk vm2, v14;
	v14 =	vadd.f32 v24, v25;
	v16 =	vmul.f32 $5.000000000e-01, v16  }
0xc6: {  	v22 =	vsub.f32 v13, v18;
	[tilespmem:v15+s22+$0x0] =	vst.idx.msk vm3, v27;
	v15 =	vmul.f32 v19, v11;
	v19 =	vor.u32 $0x1, v21  }
0xc7: {  	v14 =	vmul.f32 v14, v12;
	[tilespmem:v61+s22+$0x0] =	vst.idx.msk vm3, v20;
	v20 =	vor.u32 $0x2, v21;
	v23 =	vsub.f32 v60, v16  }
0xc8: {  	v13 =	vadd.f32 v18, v13;
	v18 =	vmul.f32 v22, v11;
	[tilespmem:v62+s22+$0x0] =	vst.idx.msk vm3, v15;
	v15 =	vor.u32 $0x3, v21  }
0xc9: {  	[tilespmem:v17+s22+$0x0] =	vst.idx.msk vm3, v14;
	v14 =	vadd.f32 v16, v60;
	v16 =	vmul.f32 v23, v12  }
0xca: {  	v13 =	vmul.f32 v13, v11;
	[tilespmem:v21+s22+$0x0] =	vst.idx.msk vm1, v18  }
0xcb: {  	v14 =	vmul.f32 v14, v12;
	[tilespmem:v19+s22+$0x0] =	vst.idx.msk vm1, v16  }
0xcc: {  	[tilespmem:v20+s22+$0x0] =	vst.idx.msk vm1, v13  }
0xcd: {  	[tilespmem:v15+s22+$0x0] =	vst.idx.msk vm1, v14  }
0xce: {  	v13 =	vld [tilespmem:$0x16DA0];
	_ =	sdelay $0x4  }
0xcf: {  	v13 =	vshll.u32 v13, $0x2  }
0xd0: {  	v14 =	vor.u32 $0x2, v13  }
0xd1: {  	v15 =	vor.u32 $0x3, v13;
	_ =	sdelay $0x1  }
0xd2: {  	v16 =	vor.u32 $0x1, v13;
	_ =	sdelay $0x1  }
0xd3: {  	v14 =	vld.idx.msk [tilespmem:v14+s15+$0x0], $0xffff  }
0xd4: {  	v15 =	vld.idx.msk [tilespmem:v15+s15+$0x0], $0xffff  }
0xd5: {  	v13 =	vld.idx.msk [tilespmem:v13+s15+$0x0], $0xffff  }
0xd6: {  	v16 =	vld.idx.msk [tilespmem:v16+s15+$0x0], $0xffff  }
0xd7: {  	v17 =	vmul.u32 $0x4, v2  }
0xd8: {  	v14 =	vmul.f32 $5.000000000e-01, v14  }
0xd9: {  	v18 =	vor.u32 $0x480, v17;
	v15 =	vmul.f32 $5.000000000e-01, v15  }
0xda: {  	v20 =	vor.u32 $0x481, v17;
	v19 =	vsub.f32 v13, v14  }
0xdb: {  	v22 =	vor.u32 $0x482, v17;
	v21 =	vsub.f32 v16, v15  }
0xdc: {  	v13 =	vadd.f32 v14, v13;
	v14 =	vor.u32 $0x483, v17;
	v19 =	vmul.f32 v19, v11  }
0xdd: {  	v15 =	vadd.f32 v15, v16;
	v17 =	vmul.f32 v21, v12  }
0xde: {  	v11 =	vmul.f32 v13, v11;
	[tilespmem:v18+s22+$0x0] =	vst.idx.msk $0xfff, v19  }
0xdf: {  	v12 =	vmul.f32 v15, v12;
	[tilespmem:v20+s22+$0x0] =	vst.idx.msk $0xfff, v17  }
0xe0: {  	[tilespmem:v22+s22+$0x0] =	vst.idx.msk $0xfff, v11  }
0xe1: {  	s31 =	simm.s32 $0x16C90;
	[tilespmem:v14+s22+$0x0] =	vst.idx.msk $0xfff, v12  }
0xe2: {  	v13 =	vld [tilespmem:s31+$0x0]  }
0xe3: {  	s26 =	simm.s32 $0x16B10;
	v14 =	vld [tilespmem:s31+$0xFFFFFFF0]  }
0xe4: {  	v15 =	vld [tilespmem:s26+$0x0]  }
0xe5: {  	s31 =	simm.s32 $0x16990;
	v16 =	vld [tilespmem:s26+$0xFFFFFFF0]  }
0xe6: {  	v11 =	vld [tilespmem:s31+$0x0]  }
0xe7: {  	s28 =	simm.s32 $0x10;
	v17 =	vmul.u32 $0xFFFFFFFF, v2;
	s26 =	simm.s32 $0x16CB0;
	v12 =	vld [tilespmem:s31+$0xFFFFFFF0]  }
0xe8: {  	v21 =	vmov s28;
	v20 =	vld [tilespmem:s26+$0x0];
	s31 =	simm.s32 $0x0;
	v22 =	vmul.u32 $0x60, v14  }
0xe9: {  	v23 =	vld [tilespmem:s26+$0xFFFFFFF0];
	s26 =	simm.s32 $0x16B30;
	v24 =	vmul.u32 $0x60, v13;
	v13 =	vmov s31;
	v14 =	vadd.s32 $0x12C, v17  }
0xea: {  	v18 =	vld [tilespmem:s26+$0x0];
	vm1 =	vlt.u32 v13, v14;
	vm2 =	vlt.u32 v21, v14  }
0xeb: {  	s25 =	simm.s32 $0x169B0;
	v19 =	vld [tilespmem:s26+$0xFFFFFFF0];
	v16 =	vadd.s32 v16, v22;
	vm2 =	vmmov vm2  }
0xec: {  	v17 =	vld [tilespmem:s25+$0xFFFFFFF0];
	v15 =	vadd.s32 v15, v24  }
0xed: {  	s29 =	simm.s32 $0x16CD0;
	s28 =	simm.s32 $0x30;
	s31 =	simm.s32 $0x20;
	v13 =	vld [tilespmem:s25+$0x0];
	v21 =	vmul.u32 $0x60, v20  }
0xee: {  	s30 =	simm.s32 $0x4;
	v20 =	vld [tilespmem:s29+$0x0];
	v23 =	vmul.u32 $0x60, v23;
	v22 =	vmov s28;
	v24 =	vmov s31  }
.LBB2_8:
0xef: {  	s30 =	sadd.s32 $0x2, s30  }
0xf0: {  	v25 =	vld [tilespmem:s29+$0xFFFFFFF0];
	vm3 =	vlt.u32 v22, v14;
	s26 =	sadd.s32 $0x20, s26;
	[tilespmem:v16+s2+$0x0] =	vst.idx.msk vm1, v12;
	vm1 =	vlt.u32 v24, v14;
	p0 =	slt.u32 s30, $0x10  }
.Ltmp3:
0xf1: {  	v16 =	vadd.s32 v19, v23;
	[tilespmem:v15+s2+$0x0] =	vst.idx.msk vm2, v11;
	v15 =	vadd.s32 v18, v21;
	v18 =	vld [tilespmem:s26+$0x0];
	vm2 =	vmmov vm3;
	(pc) =	sbr.rel @p0 .LBB2_8-.Ltmp3, $4  }
0xf2: {  	s25 =	sadd.s32 $0x20, s25;
	v19 =	vld [tilespmem:s26+$0xFFFFFFF0];
	v11 =	vmov v13  }
0xf3: {  	s28 =	sadd.s32 $0x20, s28;
	v13 =	vld [tilespmem:s25+$0x0];
	v12 =	vmov v17  }
0xf4: {  	s29 =	sadd.s32 $0x20, s29;
	s31 =	sadd.s32 $0xFFFFFFF0, s28;
	v22 =	vmov s28;
	v17 =	vld [tilespmem:s25+$0xFFFFFFF0];
	v21 =	vmul.u32 $0x60, v20  }
0xf5: {  	v24 =	vmov s31;
	v20 =	vld [tilespmem:s29+$0x0];
	v23 =	vmul.u32 $0x60, v25  }
0xf6: {  	v25 =	vld [tilespmem:s29+$0xFFFFFFF0];
	s26 =	sadd.s32 $0x20, s26  }
0xf7: {  	vm4 =	vlt.u32 v22, v14;
	v22 =	vld [tilespmem:s26+$0x0]  }
0xf8: {  	vm3 =	vlt.u32 v24, v14;
	s31 =	sadd.s32 $0x20, s28;
	v26 =	vld [tilespmem:s26+$0xFFFFFFF0]  }
0xf9: {  	v18 =	vadd.s32 v18, v21;
	v19 =	vadd.s32 v19, v23;
	v21 =	vmov s31  }
0xfa: {  	vm4 =	vmmov vm4;
	s28 =	sadd.s32 $0xFFFFFFF0, s31;
	vm6 =	vlt.u32 v21, v14;
	v20 =	vmul.u32 $0x60, v20  }
0xfb: {  	s25 =	sadd.s32 $0x20, s25;
	v23 =	vmov s28;
	vm6 =	vmmov vm6;
	v24 =	vmul.u32 $0x60, v25  }
0xfc: {  	[tilespmem:v16+s2+$0x0] =	vst.idx.msk vm1, v12;
	v12 =	vld [tilespmem:s25+$0x0];
	vm5 =	vlt.u32 v23, v14;
	v16 =	vadd.s32 v22, v20  }
0xfd: {  	v14 =	vld [tilespmem:s25+$0xFFFFFFF0];
	v21 =	vadd.s32 v26, v24  }
0xfe: {  	[tilespmem:v15+s2+$0x0] =	vst.idx.msk vm2, v11  }
0xff: {  	[tilespmem:v19+s2+$0x0] =	vst.idx.msk vm3, v17  }
0x100: {  	[tilespmem:v18+s2+$0x0] =	vst.idx.msk vm4, v13  }
0x101: {  	[tilespmem:v16+s2+$0x0] =	vst.idx.msk vm6, v12  }
0x102: {  	[tilespmem:v21+s2+$0x0] =	vst.idx.msk vm5, v14  }
0x103: {  	v11 =	vld [tilespmem:$0x16DA0];
	_ =	sdelay $0x1  }
0x104: {  	v12 =	vld [tilespmem:$0x16C20];
	_ =	sdelay $0x1  }
0x105: {  	s30 =	simm.s32 $0x0  }
0x106: {  	v13 =	vmov s30;
	v11 =	vmul.u32 $0x60, v11  }
0x107: {  	v13 =	vand.u32 $0xFFFFFFFE, v13  }
0x108: {  	v14 =	vld [tilespmem:$0x16AA0];
	v11 =	vadd.s32 v12, v11;
	v12 =	vbroadcast v13, $0x0  }
0x109: {  	s31 =	simm.s32 $0x1  }
0x10a: {  	v13 =	vmov s31;
	_ =	sdelay $0x2  }
0x10b: {  	[tilespmem:v11+s30+$0x0] =	vst.idx.msk $0xfff, v14  }
0x10c: {  	v11 =	vld.idx.msk [tilespmem:v12+s21+$0x0], $0xffff  }
0x10d: {  	s30 =	simm.s32 $0x2;
	v12 =	vld.idx.msk [tilespmem:v13+s21+$0x0], $0xffff  }
0x10e: {  	v13 =	vmov s30  }
0x10f: {  	v13 =	vand.u32 $0xFFFFFFFE, v13  }
0x110: {  	v13 =	vbroadcast v13, $0x0  }
0x111: {  	s31 =	simm.s32 $0x3;
	v15 =	vmul.u32 $0x60, v11  }
0x112: {  	v23 =	vmul.u32 $0x60, v12;
	v12 =	vmov s31  }
0x113: {  	v11 =	vor.u32 v2, v15  }
0x114: {  	v14 =	vor.u32 v2, v23  }
0x115: {  	s26 =	simm.s32 $0x5  }
0x116: {  	v16 =	vmov s26;
	v13 =	vld.idx.msk [tilespmem:v13+s21+$0x0], $0xffff  }
0x117: {  	v12 =	vld.idx.msk [tilespmem:v12+s21+$0x0], $0xffff  }
0x118: {  	s30 =	simm.s32 $0x4;
	v11 =	vld.idx.msk [tilespmem:v11+s2+$0x0], $0xffff  }
0x119: {  	v17 =	vor.u32 v6, v15;
	v18 =	vld.idx.msk [tilespmem:v14+s2+$0x0], $0xffff;
	v14 =	vmov s30  }
0x11a: {  	v14 =	vand.u32 $0xFFFFFFFE, v14  }
0x11b: {  	v20 =	vld.idx.msk [tilespmem:v16+s21+$0x0], $0xffff;
	v19 =	vor.u32 v6, v23;
	v16 =	vmul.u32 $0x60, v13;
	v21 =	vbroadcast v14, $0x0  }
0x11c: {  	s26 =	simm.s32 $0x17360;
	v14 =	vmul.u32 $0x60, v12  }
0x11d: {  	v13 =	vor.u32 v2, v16;
	[tilespmem:s26+$0xFFFFFFA0] =	vst v11  }
0x11e: {  	[tilespmem:s26+$0x0] =	vst v18;
	v18 =	vor.u32 v2, v14;
	v12 =	vld.idx.msk [tilespmem:v17+s2+$0x0], $0xffff  }
0x11f: {  	v17 =	vadd.s32 v7, v15  }
0x120: {  	v19 =	vld.idx.msk [tilespmem:v19+s2+$0x0], $0xffff  }
0x121: {  	s31 =	simm.s32 $0x7;
	v22 =	vadd.s32 v7, v23;
	v11 =	vmul.u32 $0x60, v20;
	v20 =	vld.idx.msk [tilespmem:v21+s21+$0x0], $0xffff  }
0x122: {  	v21 =	vmov s31;
	v13 =	vld.idx.msk [tilespmem:v13+s2+$0x0], $0xffff  }
0x123: {  	v25 =	vor.u32 v6, v16;
	v18 =	vld.idx.msk [tilespmem:v18+s2+$0x0], $0xffff;
	[tilespmem:s26+$0xFFFFFFB0] =	vst v12  }
0x124: {  	s30 =	simm.s32 $0x6;
	v24 =	vor.u32 v2, v11;
	v17 =	vld.idx.msk [tilespmem:v17+s2+$0x0], $0xffff  }
0x125: {  	[tilespmem:s26+$0x10] =	vst v19;
	v19 =	vadd.s32 v4, v15;
	v12 =	vmov s30  }
0x126: {  	s28 =	simm.s32 $0x17420;
	v26 =	vor.u32 v6, v14;
	v22 =	vld.idx.msk [tilespmem:v22+s2+$0x0], $0xffff;
	v12 =	vand.u32 $0xFFFFFFFE, v12  }
0x127: {  	v27 =	vadd.s32 v4, v23;
	v21 =	vld.idx.msk [tilespmem:v21+s21+$0x0], $0xffff;
	v28 =	vbroadcast v12, $0x0;
	[tilespmem:s28+$0xFFFFFFA0] =	vst v13  }
0x128: {  	v12 =	vmul.u32 $0x60, v20;
	v20 =	vld.idx.msk [tilespmem:v25+s2+$0x0], $0xffff;
	[tilespmem:s28+$0x0] =	vst v18  }
0x129: {  	v29 =	vld.idx.msk [tilespmem:v24+s2+$0x0], $0xffff;
	v18 =	vadd.s32 v7, v16;
	[tilespmem:s26+$0xFFFFFFC0] =	vst v17  }
0x12a: {  	v17 =	vor.u32 v2, v12;
	v19 =	vld.idx.msk [tilespmem:v19+s2+$0x0], $0xffff  }
0x12b: {  	v24 =	vld.idx.msk [tilespmem:v26+s2+$0x0], $0xffff;
	[tilespmem:s26+$0x20] =	vst v22;
	v22 =	vadd.s32 v8, v15  }
0x12c: {  	v26 =	vadd.s32 v7, v14;
	v25 =	vld.idx.msk [tilespmem:v27+s2+$0x0], $0xffff  }
0x12d: {  	s31 =	simm.s32 $0x9;
	v13 =	vmul.u32 $0x60, v21;
	v21 =	vadd.s32 v8, v23;
	v27 =	vld.idx.msk [tilespmem:v28+s21+$0x0], $0xffff;
	[tilespmem:s28+$0xFFFFFFB0] =	vst v20  }
0x12e: {  	v20 =	vmov s31;
	v30 =	vld.idx.msk [tilespmem:v18+s2+$0x0], $0xffff  }
0x12f: {  	v28 =	vor.u32 v2, v13;
	v17 =	vld.idx.msk [tilespmem:v17+s2+$0x0], $0xffff;
	[tilespmem:s26+$0xFFFFFFD0] =	vst v19  }
0x130: {  	[tilespmem:s28+$0x10] =	vst v24;
	v24 =	vadd.s32 v4, v16;
	v32 =	vld.idx.msk [tilespmem:v22+s2+$0x0], $0xffff  }
0x131: {  	v31 =	vor.u32 v6, v12;
	[tilespmem:s26+$0x30] =	vst v25;
	v22 =	vld.idx.msk [tilespmem:v26+s2+$0x0], $0xffff  }
0x132: {  	s29 =	simm.s32 $0x8;
	v33 =	vadd.s32 v9, v15;
	v19 =	vld.idx.msk [tilespmem:v21+s2+$0x0], $0xffff  }
0x133: {  	v25 =	vmov s29;
	v20 =	vld.idx.msk [tilespmem:v20+s21+$0x0], $0xffff;
	v21 =	vor.u32 v6, v11  }
0x134: {  	s25 =	simm.s32 $0x174E0;
	v25 =	vand.u32 $0xFFFFFFFE, v25;
	v18 =	vld.idx.msk [tilespmem:v28+s2+$0x0], $0xffff;
	[tilespmem:s28+$0xFFFFFFC0] =	vst v30;
	v28 =	vadd.s32 v4, v14  }
0x135: {  	v15 =	vmul.u32 $0x60, v27;
	v26 =	vadd.s32 v9, v23;
	v27 =	vbroadcast v25, $0x0;
	v24 =	vld.idx.msk [tilespmem:v24+s2+$0x0], $0xffff;
	[tilespmem:s25+$0xFFFFFFA0] =	vst v17  }
0x136: {  	v17 =	vld.idx.msk [tilespmem:v31+s2+$0x0], $0xffff;
	[tilespmem:s26+$0xFFFFFFE0] =	vst v32  }
0x137: {  	[tilespmem:s25+$0x0] =	vst v29;
	s29 =	simm.s32 $0xA;
	v25 =	vor.u32 v2, v15;
	v23 =	vld.idx.msk [tilespmem:v33+s2+$0x0], $0xffff  }
.LBB2_10:
0x138: {  	p0 =	slt.u32 s29, $0x12A;
	v29 =	vadd.s32 v7, v12;
	v21 =	vld.idx.msk [tilespmem:v21+s2+$0x0], $0xffff;
	[tilespmem:s28+$0x20] =	vst v22  }
0x139: {  	v22 =	vadd.s32 v8, v16;
	v28 =	vld.idx.msk [tilespmem:v28+s2+$0x0], $0xffff;
	[tilespmem:s26+$0x40] =	vst v19  }
0x13a: {  	v19 =	vadd.s32 v7, v11;
	v30 =	vmov v18;
	v26 =	vld.idx.msk [tilespmem:v26+s2+$0x0], $0xffff  }
0x13b: {  	s30 =	sadd.s32 $0x1, s29;
	v32 =	vmul.u32 $0x60, v20;
	v31 =	vld.idx.msk [tilespmem:v27+s21+$0x0], $0xffff;
	[tilespmem:s25+$0xFFFFFFB0] =	vst v17;
	v17 =	vadd.s32 v8, v14  }
0x13c: {  	v18 =	vmov s30;
	v25 =	vld.idx.msk [tilespmem:v25+s2+$0x0], $0xffff;
	[tilespmem:s28+$0xFFFFFFD0] =	vst v24  }
0x13d: {  	v24 =	vor.u32 v2, v32;
	v29 =	vld.idx.msk [tilespmem:v29+s2+$0x0], $0xffff;
	[tilespmem:s26+$0xFFFFFFF0] =	vst v23  }
0x13e: {  	v23 =	vor.u32 v6, v15;
	[tilespmem:s25+$0x10] =	vst v21;
	v33 =	vld.idx.msk [tilespmem:v22+s2+$0x0], $0xffff  }
0x13f: {  	v34 =	vadd.s32 v4, v12;
	v22 =	vld.idx.msk [tilespmem:v19+s2+$0x0], $0xffff;
	[tilespmem:s28+$0x30] =	vst v28  }
0x140: {  	v35 =	vadd.s32 v9, v16;
	v16 =	vmov v12;
	v12 =	vmov v15;
	v19 =	vld.idx.msk [tilespmem:v17+s2+$0x0], $0xffff;
	[tilespmem:s26+$0x50] =	vst v26;
	s26 =	smov.u32 s28;
	s28 =	smov.u32 s25  }
.Ltmp4:
0x141: {  	v15 =	vmov s29;
	v21 =	vor.u32 v6, v13;
	s25 =	sadd.s32 $0xC0, s25;
	v20 =	vld.idx.msk [tilespmem:v18+s21+$0x0], $0xffff;
	(pc) =	sbr.rel @p0 .LBB2_10-.Ltmp4, $4  }
0x142: {  	v15 =	vand.u32 $0xFFFFFFFE, v15;
	v28 =	vadd.s32 v4, v11;
	v18 =	vld.idx.msk [tilespmem:v24+s2+$0x0], $0xffff;
	[tilespmem:s25+$0xFFFFFFA0] =	vst v25  }
0x143: {  	v27 =	vbroadcast v15, $0x0;
	v15 =	vmul.u32 $0x60, v31;
	v26 =	vadd.s32 v9, v14;
	v14 =	vmovc v11;
	v17 =	vld.idx.msk [tilespmem:v23+s2+$0x0], $0xffff;
	[tilespmem:s28+$0xFFFFFFC0] =	vst v29  }
0x144: {  	v11 =	vmov v13;
	v13 =	vmov v32;
	v24 =	vld.idx.msk [tilespmem:v34+s2+$0x0], $0xffff;
	[tilespmem:s26+$0xFFFFFFE0] =	vst v33  }
0x145: {  	s29 =	sadd.s32 $0x2, s29;
	v25 =	vor.u32 v2, v15;
	[tilespmem:s25+$0x0] =	vst v30;
	v23 =	vld.idx.msk [tilespmem:v35+s2+$0x0], $0xffff  }
0x146: {  	_ =	sdelay $0x3  }
0x147: {  	v27 =	vld.idx.msk [tilespmem:v27+s21+$0x0], $0xffff;
	_ =	sdelay $0x2  }
0x148: {  	[tilespmem:s28+$0x20] =	vst v22  }
0x149: {  	v57 =	vadd.s32 v8, v16;
	[tilespmem:s26+$0x40] =	vst v19;
	v19 =	vmul.u32 $0x60, v20;
	v28 =	vld.idx.msk [tilespmem:v28+s2+$0x0], $0xffff  }
0x14a: {  	v29 =	vadd.s32 v8, v14;
	s30 =	sadd.s32 $0xC0, s25;
	v27 =	vmul.u32 $0x60, v27  }
0x14b: {  	v25 =	vld.idx.msk [tilespmem:v25+s2+$0x0], $0xffff;
	[tilespmem:s30+$0x0] =	vst v18;
	v63 =	vor.u32 v2, v19  }
0x14c: {  	v21 =	vld.idx.msk [tilespmem:v21+s2+$0x0], $0xffff;
	[tilespmem:s25+$0xFFFFFFB0] =	vst v17;
	v62 =	vor.u32 v2, v27  }
0x14d: {  	v33 =	vor.u32 v6, v13;
	v61 =	vld.idx.msk [tilespmem:v26+s2+$0x0], $0xffff;
	[tilespmem:s28+$0xFFFFFFD0] =	vst v24  }
0x14e: {  	v32 =	vor.u32 v6, v15;
	v22 =	vld.idx.msk [tilespmem:v57+s2+$0x0], $0xffff;
	[tilespmem:s28+$0x30] =	vst v28  }
0x14f: {  	v58 =	vadd.s32 v9, v16;
	[tilespmem:s26+$0xFFFFFFF0] =	vst v23;
	v59 =	vld.idx.msk [tilespmem:v29+s2+$0x0], $0xffff  }
0x150: {  	v60 =	vadd.s32 v9, v14;
	[tilespmem:s30+$0xFFFFFFA0] =	vst v25;
	v35 =	vld.idx.msk [tilespmem:v63+s2+$0x0], $0xffff  }
0x151: {  	v37 =	vor.u32 v6, v19;
	[tilespmem:s25+$0x10] =	vst v21;
	v34 =	vld.idx.msk [tilespmem:v62+s2+$0x0], $0xffff  }
0x152: {  	v20 =	vld.idx.msk [tilespmem:v33+s2+$0x0], $0xffff;
	[tilespmem:s26+$0x50] =	vst v61;
	v36 =	vor.u32 v6, v27  }
0x153: {  	v38 =	vadd.s32 v7, v12;
	[tilespmem:s28+$0xFFFFFFE0] =	vst v22;
	v22 =	vld.idx.msk [tilespmem:v32+s2+$0x0], $0xffff  }
0x154: {  	v39 =	vadd.s32 v7, v11;
	s31 =	sadd.s32 $0xC0, s30;
	v16 =	vld.idx.msk [tilespmem:v58+s2+$0x0], $0xffff;
	[tilespmem:s28+$0x40] =	vst v59  }
0x155: {  	v41 =	vadd.s32 v7, v13;
	[tilespmem:s31+$0x0] =	vst v35;
	v14 =	vld.idx.msk [tilespmem:v60+s2+$0x0], $0xffff  }
0x156: {  	v40 =	vadd.s32 v7, v15;
	v18 =	vld.idx.msk [tilespmem:v37+s2+$0x0], $0xffff;
	[tilespmem:s31+$0xFFFFFFA0] =	vst v34  }
0x157: {  	v44 =	vadd.s32 v7, v19;
	[tilespmem:s30+$0x10] =	vst v20;
	v25 =	vld.idx.msk [tilespmem:v36+s2+$0x0], $0xffff  }
0x158: {  	v43 =	vld.idx.msk [tilespmem:v38+s2+$0x0], $0xffff;
	v42 =	vadd.s32 v7, v27;
	[tilespmem:s30+$0xFFFFFFB0] =	vst v22  }
0x159: {  	v45 =	vadd.s32 v4, v12;
	[tilespmem:s28+$0xFFFFFFF0] =	vst v16;
	v16 =	vld.idx.msk [tilespmem:v39+s2+$0x0], $0xffff  }
0x15a: {  	v46 =	vadd.s32 v4, v11;
	v23 =	vld.idx.msk [tilespmem:v41+s2+$0x0], $0xffff;
	[tilespmem:s28+$0x50] =	vst v14  }
0x15b: {  	v48 =	vadd.s32 v4, v13;
	v14 =	vld.idx.msk [tilespmem:v40+s2+$0x0], $0xffff;
	[tilespmem:s31+$0x10] =	vst v18  }
0x15c: {  	v47 =	vadd.s32 v4, v15;
	v21 =	vld.idx.msk [tilespmem:v44+s2+$0x0], $0xffff;
	[tilespmem:s31+$0xFFFFFFB0] =	vst v25  }
0x15d: {  	v50 =	vadd.s32 v4, v19;
	[tilespmem:s25+$0xFFFFFFC0] =	vst v43;
	v17 =	vld.idx.msk [tilespmem:v42+s2+$0x0], $0xffff  }
0x15e: {  	v49 =	vadd.s32 v4, v27;
	v24 =	vld.idx.msk [tilespmem:v45+s2+$0x0], $0xffff;
	[tilespmem:s25+$0x20] =	vst v16  }
0x15f: {  	v51 =	vadd.s32 v8, v12;
	[tilespmem:s30+$0x20] =	vst v23;
	v22 =	vld.idx.msk [tilespmem:v46+s2+$0x0], $0xffff  }
0x160: {  	v52 =	vadd.s32 v8, v11;
	[tilespmem:s30+$0xFFFFFFC0] =	vst v14;
	v25 =	vld.idx.msk [tilespmem:v48+s2+$0x0], $0xffff  }
0x161: {  	v54 =	vadd.s32 v8, v13;
	v20 =	vld.idx.msk [tilespmem:v47+s2+$0x0], $0xffff;
	[tilespmem:s31+$0x20] =	vst v21  }
0x162: {  	v53 =	vadd.s32 v8, v15;
	v16 =	vld.idx.msk [tilespmem:v50+s2+$0x0], $0xffff;
	[tilespmem:s31+$0xFFFFFFC0] =	vst v17  }
0x163: {  	v56 =	vadd.s32 v8, v19;
	[tilespmem:s25+$0xFFFFFFD0] =	vst v24;
	v18 =	vld.idx.msk [tilespmem:v49+s2+$0x0], $0xffff  }
0x164: {  	v55 =	vadd.s32 v8, v27;
	v24 =	vld.idx.msk [tilespmem:v51+s2+$0x0], $0xffff;
	[tilespmem:s25+$0x30] =	vst v22  }
0x165: {  	v57 =	vadd.s32 v9, v12;
	v14 =	vld.idx.msk [tilespmem:v52+s2+$0x0], $0xffff;
	[tilespmem:s30+$0x30] =	vst v25  }
0x166: {  	v11 =	vadd.s32 v9, v11;
	[tilespmem:s30+$0xFFFFFFD0] =	vst v20;
	v17 =	vld.idx.msk [tilespmem:v54+s2+$0x0], $0xffff  }
0x167: {  	v59 =	vadd.s32 v9, v13;
	v20 =	vld.idx.msk [tilespmem:v53+s2+$0x0], $0xffff;
	[tilespmem:s31+$0x30] =	vst v16  }
0x168: {  	v58 =	vadd.s32 v9, v15;
	v61 =	vld.idx.msk [tilespmem:v56+s2+$0x0], $0xffff;
	[tilespmem:s31+$0xFFFFFFD0] =	vst v18  }
0x169: {  	v62 =	vadd.s32 v9, v19;
	[tilespmem:s25+$0xFFFFFFE0] =	vst v24;
	v18 =	vld.idx.msk [tilespmem:v55+s2+$0x0], $0xffff  }
0x16a: {  	v60 =	vadd.s32 v9, v27;
	v12 =	vld.idx.msk [tilespmem:v57+s2+$0x0], $0xffff;
	[tilespmem:s25+$0x40] =	vst v14  }
0x16b: {  	v11 =	vld.idx.msk [tilespmem:v11+s2+$0x0], $0xffff;
	[tilespmem:s30+$0x40] =	vst v17  }
0x16c: {  	[tilespmem:s30+$0xFFFFFFE0] =	vst v20;
	v13 =	vld.idx.msk [tilespmem:v59+s2+$0x0], $0xffff  }
0x16d: {  	v15 =	vld.idx.msk [tilespmem:v58+s2+$0x0], $0xffff;
	[tilespmem:s31+$0x40] =	vst v61  }
0x16e: {  	v63 =	vld.idx.msk [tilespmem:v62+s2+$0x0], $0xffff;
	[tilespmem:s31+$0xFFFFFFE0] =	vst v18  }
0x16f: {  	[tilespmem:s25+$0xFFFFFFF0] =	vst v12;
	v16 =	vld.idx.msk [tilespmem:v60+s2+$0x0], $0xffff  }
0x170: {  	[tilespmem:s25+$0x50] =	vst v11  }
0x171: {  	[tilespmem:s30+$0x50] =	vst v13  }
0x172: {  	[tilespmem:s30+$0xFFFFFFF0] =	vst v15  }
0x173: {  	[tilespmem:s31+$0x50] =	vst v63  }
0x174: {  	[tilespmem:s31+$0xFFFFFFF0] =	vst v16  }
0x175: {  	[hbm4b:s7+s12] =	stream.strided.scatter [tilespmem:s19], [sflag:$0x1], $0x180, s13, s12, $0x38;
	[tilespmem:$0x1E380] =	vst v63  }
0x176: {  	_ = 	snop  }
0x177: {  	[hbm4b:s8+s12] =	stream.strided.scatter [tilespmem:s20], [sflag:$0x1], $0x180, s13, s12, $0x38;
	[tilespmem:$0x1E380] =	vst v63  }
0x178: {  	_ = 	snop  }
0x179: {  	[hbm4b:s9+s12] =	stream.strided.scatter [tilespmem:s22], [sflag:$0x1], $0x500, s13, s12, $0x38;
	[tilespmem:$0x1E380] =	vst v63  }
0x17a: {  	_ = 	snop  }
0x17b: {  	[hbm4b:s10+s12] =	stream.strided.scatter [tilespmem:s23], [sflag:$0x1], $0x7080, s13, s12, $0x38;
	[tilespmem:$0x1E380] =	vst v63  }
0x17c: {  	_ =	swait.ge [sflag:s17], $0x180  }
0x17d: {  	[sflag:s17] =	ssyncset.done $0x0  }
0x17e: {  	[sflag:s17] =	ssyncadd.s32 $0xFFFFFE80  }
0x17f: {  	_ =	swait.ge [sflag:s17], $0x180  }
0x180: {  	[sflag:s17] =	ssyncset.done $0x0  }
0x181: {  	s24 =	sadd.s32 $0x1, s24;
	[sflag:s17] =	ssyncadd.s32 $0xFFFFFE80  }
0x182: {  	p0 =	sne.s32 s24, s11;
	_ =	swait.ge [sflag:s17], $0x500  }
.Ltmp5:
0x183: {  	[sflag:s17] =	ssyncset.done $0x0;
	(pc) =	sbr.rel @p0 .LBB2_1-.Ltmp5, $4  }
0x184: {  	[sflag:s17] =	ssyncadd.s32 $0xFFFFFB00  }
0x185: {  	_ =	swait.ge [sflag:s17], $0x7080  }
0x186: {  	[sflag:s17] =	ssyncset.done $0x0  }
0x187: {  	[sflag:s17] =	ssyncadd.s32 $0xFFFF8F80  }
0x188: {  	_ =	sfence.sel $0x180000  }
0x189: {  	[bflag:$0x0] =	sbarrier.arrive $0xFFFF  }
0x18a: {  	p0 =	sne.s32 s0, $0x0;
	_ =	strace $0x90000047  }
0x18b: {  	s0 =	sadd.s32 @!p0 $0x100000, s1;
	[bflag:$0x2] =	sbarrier.arrive $0xFFFF  }
0x18c: {  	[sflag:s0] =	ssyncadd.tile.s32 @!p0 $0x1;
	_ =	shalt  }
.Lfunc_end2:
_tile_overlayer_lowered:
.L_overlay_start_2:
0x18d: {  	(tag) =	ssettag $0x2  }
0x18e: {  	s0 =	rddreg [dreg:$0x0];
	s2 =	stileid.u32  }
0x18f: {  	s1 =	rddreg [dreg:$0x1];
	p0 =	sne.s32 s2, $0x0  }
0x190: {  	s3 =	rddreg [dreg:$0x2];
	[bflag:$0x3] =	sbarrier.arrive $0xFFFF;
	s2 =	simm.s32 @!p0 $0x1C02  }
0x191: {  	[timem:s3], [sflag:s2] =	dma.local @!p0 [hbm:s0], s1  }
0x192: {  	s0 =	simm.s32 @!p0 $0x2  }
0x193: {  	_ =	swait.ge @!p0 [sflag:s0], s1  }
0x194: {  	s1 =	ssub.s32 @!p0 $0x0, s1;
	[sflag:s0] =	ssyncset.done @!p0 $0x0  }
0x195: {  	[sflag:s0] =	ssyncadd.s32 @!p0 s1  }
0x196: {  	[bflag:$0x3] =	sbarrier.arrive $0xFFFF  }
0x197: {  	_ =	shalt  }

</sc_bundles>
